<compile_context>
chip_gen: v7x
topology: tpu7x:2x2x1
jax: 0.10.2.dev20260603
libtpu: 0.0.44.dev20260713+nightly
codegen_flags: <defaults>
</compile_context>

<pallas_src>
import functools

import jax
import jax.numpy as jnp
from jax import lax
from jax.experimental import pallas as pl
from jax.experimental.pallas import tpu as pltpu
from jax.experimental.pallas import tpu_sc as plsc

D_MODEL = 768
MAXLEN = 30
N_SEGMENTS = 2
VOCAB = 4
N_COMBO = VOCAB * N_SEGMENTS * MAXLEN
_EPS = 1e-5

_NC = 2
_NS = 16
_NW = _NC * _NS
_LANES = 16
_NSUB = D_MODEL // 128
_TRC = 4
_GSUB = _TRC * 8 * _NSUB


def _combo_body(tok_ref, pos_ref, seg_ref, gamma_ref, beta_ref, out_ref):
    row = lax.broadcasted_iota(jnp.int32, (N_COMBO, 1), 0)

    def onehot(ids, n):
        cols = lax.broadcasted_iota(jnp.int32, (N_COMBO, n), 1)
        return (ids == cols).astype(jnp.float32)

    emb = jnp.dot(onehot(row // (N_SEGMENTS * MAXLEN), VOCAB), tok_ref[...],
                  preferred_element_type=jnp.float32)
    emb = emb + jnp.dot(onehot((row // MAXLEN) % N_SEGMENTS, N_SEGMENTS),
                        seg_ref[...], preferred_element_type=jnp.float32)
    emb = emb + jnp.dot(onehot(row % MAXLEN, MAXLEN), pos_ref[...],
                        preferred_element_type=jnp.float32)
    mean = jnp.mean(emb, axis=-1, keepdims=True)
    cent = emb - mean
    var = jnp.mean(cent * cent, axis=-1, keepdims=True)
    res = (cent * lax.rsqrt(var + _EPS)) * gamma_ref[...] + beta_ref[...]
    for c in range(_NSUB):
        out_ref[pl.ds(c * N_COMBO, N_COMBO), :] = res[:, c * 128:(c + 1) * 128]


@functools.lru_cache(maxsize=None)
def _sc_lookup(batch: int, seq_len: int):
    nbt = batch // 8
    ntr = seq_len * nbt
    assert ntr % (_NW * _TRC) == 0
    tr_w = ntr // _NW
    n_chunk = tr_w // _TRC
    assert n_chunk % 3 == 0
    assert nbt % _TRC == 0
    mesh = plsc.VectorSubcoreMesh(core_axis_name="c", subcore_axis_name="s")

    @functools.partial(
        pl.kernel,
        mesh=mesh,
        compiler_params=pltpu.CompilerParams(needs_layout_passes=False),
        out_type=jax.ShapeDtypeStruct((ntr * 8 * _NSUB, 128), jnp.float32),
        scratch_types=[
            pltpu.VMEM((2, batch), jnp.int32),
            pltpu.VMEM((2, batch), jnp.int32),
            pltpu.VMEM((_GSUB,), jnp.int32),
            pltpu.VMEM((_GSUB,), jnp.int32),
            pltpu.VMEM((_GSUB,), jnp.int32),
            pltpu.VMEM((3, _GSUB, 128), jnp.float32),
            pltpu.SemaphoreType.DMA,
            pltpu.SemaphoreType.DMA,
            pltpu.SemaphoreType.DMA,
            pltpu.SemaphoreType.DMA,
            pltpu.SemaphoreType.DMA,
            pltpu.SemaphoreType.DMA,
        ],
    )
    def body(xt_hbm, st_hbm, table_hbm, out_hbm,
             xs_v, ss_v, idx0_v, idx1_v, idx2_v, buf_v,
             gsem0, gsem1, gsem2, ssem0, ssem1, ssem2):
        gsems = (gsem0, gsem1, gsem2)
        ssems = (ssem0, ssem1, ssem2)
        idxs = (idx0_v, idx1_v, idx2_v)
        wid = lax.axis_index("s") * _NC + lax.axis_index("c")
        tr0 = wid * tr_w
        t0 = tr0 // nbt
        t1 = (tr0 + tr_w - 1) // nbt
        pltpu.sync_copy(xt_hbm.at[pl.ds(t0 * batch, batch)], xs_v.at[0])
        pltpu.sync_copy(xt_hbm.at[pl.ds(t1 * batch, batch)], xs_v.at[1])
        pltpu.sync_copy(st_hbm.at[pl.ds(t0 * batch, batch)], ss_v.at[0])
        pltpu.sync_copy(st_hbm.at[pl.ds(t1 * batch, batch)], ss_v.at[1])

        lanes = lax.iota(jnp.int32, _LANES)
        lane_mod8 = lanes & 7
        lane_div8 = lax.shift_right_logical(lanes, 3)

        def idx_chunk(k, b):
            trk = tr0 + k * _TRC
            t = trk // nbt
            tb0 = trk % nbt
            sel = t - t0
            idx_v = idxs[b]

            def vbody(v, carry):
                p0 = pl.multiple_of(v * _LANES, _LANES)
                tb = tb0 + p0 // (8 * _NSUB)
                q0 = p0 % (8 * _NSUB)
                bvec = tb * 8 + lane_mod8
                cvec = q0 // 8 + lane_div8
                selv = jnp.full((_LANES,), sel, jnp.int32)
                xv = plsc.load_gather(xs_v, [selv, bvec])
                sv = plsc.load_gather(ss_v, [selv, bvec])
                cid = (xv * N_SEGMENTS + sv) * seq_len + t
                idx_v[pl.ds(p0, _LANES)] = cvec * N_COMBO + cid
                return carry

            lax.fori_loop(0, _GSUB // _LANES, vbody, 0)

        _splits = ((0, 128), (128, _GSUB - 128))

        def gather_chunk(k, b):
            for (o, n) in _splits:
                pltpu.async_copy(
                    table_hbm.at[idxs[b].at[pl.ds(o, n)]],
                    buf_v.at[b].at[pl.ds(o, n)], gsems[b])

        def wait_gather(k, b):
            for (o, n) in _splits:
                pltpu.make_async_copy(
                    table_hbm.at[idxs[b].at[pl.ds(o, n)]],
                    buf_v.at[b].at[pl.ds(o, n)], gsems[b]).wait()

        out_base = pl.multiple_of(tr0 * 8 * _NSUB, tr_w * 8 * _NSUB)

        def scatter_start(k, b):
            off = pl.multiple_of(k * _GSUB, _GSUB)
            return pltpu.async_copy(
                buf_v.at[b], out_hbm.at[pl.ds(out_base + off, _GSUB)], ssems[b])

        def scatter_wait(k, b):
            off = pl.multiple_of(k * _GSUB, _GSUB)
            pltpu.make_async_copy(
                buf_v.at[b], out_hbm.at[pl.ds(out_base + off, _GSUB)],
                ssems[b]).wait()

        idx_chunk(0, 0)
        gather_chunk(0, 0)
        idx_chunk(1, 1)
        gather_chunk(1, 1)

        def outer(i, carry):
            for b in range(3):
                k = i * 3 + b
                wait_gather(k, b)
                scatter_start(k, b)
                b2 = (b + 2) % 3

                @pl.when(k + 2 < n_chunk)
                def _prefetch():
                    @pl.when(k >= 1)
                    def _recycle():
                        scatter_wait(k - 1, b2)

                    idx_chunk(k + 2, b2)
                    gather_chunk(k + 2, b2)

            return carry

        lax.fori_loop(0, n_chunk // 3, outer, 0)
        scatter_wait(n_chunk - 3, 0)
        scatter_wait(n_chunk - 2, 1)
        scatter_wait(n_chunk - 1, 2)

    return body


def kernel(x, seg, tok_table, pos_table, seg_table, gamma, beta):
    table = pl.pallas_call(
        _combo_body,
        out_shape=jax.ShapeDtypeStruct((N_COMBO * _NSUB, 128), jnp.float32),
    )(tok_table, pos_table, seg_table,
      gamma.reshape(1, D_MODEL).astype(jnp.float32),
      beta.reshape(1, D_MODEL).astype(jnp.float32))

    batch, seq_len = x.shape
    xt = x.astype(jnp.int32).T.reshape(-1)
    st = seg.astype(jnp.int32).T.reshape(-1)
    out = _sc_lookup(batch, seq_len)(xt, st, table)
    out = out.reshape(seq_len, batch // 8, _NSUB, 8, 128)
    out = out.transpose(1, 3, 0, 2, 4)
    return out.reshape(batch, seq_len, D_MODEL)

# --- scband reference (transcript-rebuilt; emitter-appended) ---
"""Pipeline reference for scband-embedding-62431644615326 (READ-ONLY COPY).

The authoritative reference and input builder live on the scoring server;
editing this copy changes nothing except your own understanding.
"""

import jax, jax.numpy as jnp
import numpy as np

D_MODEL = 768
MAXLEN = 30
N_SEGMENTS = 2
VOCAB_SIZE = 4
BATCH = 4096
SEQ_LEN = 30


def setup_inputs(seed: int = 0) -> dict:
    key = jax.random.key(seed)
    k1, k2, k3, k4, k5 = jax.random.split(key, 5)
    x = jax.random.randint(k1, (BATCH, SEQ_LEN), 0, VOCAB_SIZE, dtype=jnp.int64 if jax.config.jax_enable_x64 else jnp.int32)
    seg = jax.random.randint(k2, (BATCH, SEQ_LEN), 0, N_SEGMENTS, dtype=jnp.int64 if jax.config.jax_enable_x64 else jnp.int32)
    tok_table = jax.random.normal(k3, (VOCAB_SIZE, D_MODEL), dtype=jnp.float32) * 0.02
    pos_table = jax.random.normal(k4, (MAXLEN, D_MODEL), dtype=jnp.float32) * 0.02
    seg_table = jax.random.normal(k5, (N_SEGMENTS, D_MODEL), dtype=jnp.float32) * 0.02
    gamma = jnp.ones((D_MODEL,), dtype=jnp.float32)
    beta = jnp.zeros((D_MODEL,), dtype=jnp.float32)
    return {"x": x, "seg": seg, "tok_table": tok_table, "pos_table": pos_table, "seg_table": seg_table, "gamma": gamma, "beta": beta}


def reference(x, seg, tok_table, pos_table, seg_table, gamma, beta):
    seq_len = x.shape[1]
    pos = jnp.arange(seq_len, dtype=x.dtype)
    pos = jnp.broadcast_to(pos[None, :], x.shape)
    # embedding lookups (gather)
    emb = jnp.take(tok_table, x, axis=0) + jnp.take(pos_table, pos, axis=0) + jnp.take(seg_table, seg, axis=0)
    # LayerNorm over last dim, eps=1e-5 (PyTorch default)
    mean = jnp.mean(emb, axis=-1, keepdims=True)
    var = jnp.mean(jnp.square(emb - mean), axis=-1, keepdims=True)
    normed = (emb - mean) / jnp.sqrt(var + 1e-5)
    return normed * gamma + beta

if __name__ == "__main__":
    import jax
    _d = setup_inputs()
    print(jax.jit(kernel)(*tuple(_d.values())))

</pallas_src>

<mosaic_0001>
#map = affine_map<(d0, d1) -> (0)>
#map1 = affine_map<(d0, d1) -> (0, 0)>
module attributes {stable_mosaic.version = 14 : i64} {
  func.func @body(%arg0: i32, %arg1: i32, %arg2: memref<122880xi32, #tpu.memory_space<hbm>>, %arg3: memref<122880xi32, #tpu.memory_space<hbm>>, %arg4: memref<1440x128xf32, #tpu.memory_space<hbm>>, %arg5: memref<737280x128xf32, #tpu.memory_space<hbm>>, %arg6: memref<2x4096xi32, #tpu.memory_space<vmem>>, %arg7: memref<2x4096xi32, #tpu.memory_space<vmem>>, %arg8: memref<192xi32, #tpu.memory_space<vmem>>, %arg9: memref<192xi32, #tpu.memory_space<vmem>>, %arg10: memref<192xi32, #tpu.memory_space<vmem>>, %arg11: memref<3x192x128xf32, #tpu.memory_space<vmem>>, %arg12: memref<!tpu.dma_semaphore, #tpu.memory_space<semaphore_mem>>, %arg13: memref<!tpu.dma_semaphore, #tpu.memory_space<semaphore_mem>>, %arg14: memref<!tpu.dma_semaphore, #tpu.memory_space<semaphore_mem>>, %arg15: memref<!tpu.dma_semaphore, #tpu.memory_space<semaphore_mem>>, %arg16: memref<!tpu.dma_semaphore, #tpu.memory_space<semaphore_mem>>, %arg17: memref<!tpu.dma_semaphore, #tpu.memory_space<semaphore_mem>>) attributes {dimension_semantics = [#tpu.dimension_semantics<core_parallel>, #tpu.dimension_semantics<subcore_parallel>], iteration_bounds = array<i64: 2, 16>, scalar_prefetch = 0 : i64, scratch_operands = 12 : i64, tpu.core_type = #tpu.core_type<sc_vector_subcore>, window_params = [{transform_indices = #map}, {transform_indices = #map}, {transform_indices = #map1}, {transform_indices = #map1}]} {
    %mul3A = arith.constant 2 : i32
    %mul3A_0 = arith.muli %arg1, %mul3A : i32
    %add3A = arith.addi %mul3A_0, %arg0 : i32
    %mul3A_1 = arith.constant 480 : i32
    %mul3A_2 = arith.muli %add3A, %mul3A_1 : i32
    %jit3A = arith.constant 512 : i32
    %div3A = arith.divsi %mul3A_2, %jit3A : i32
    %sign3A = arith.constant 0 : i32
    %sign3A_3 = arith.cmpi sgt, %mul3A_2, %sign3A : i32
    %sign3A_4 = arith.extui %sign3A_3 : i1 to i32
    %sign3A_5 = arith.constant 0 : i32
    %sign3A_6 = arith.cmpi slt, %mul3A_2, %sign3A_5 : i32
    %sign3A_7 = arith.extui %sign3A_6 : i1 to i32
    %sign3A_8 = arith.subi %sign3A_4, %sign3A_7 : i32
    %sign3A_9 = arith.constant 0 : i32
    %sign3A_10 = arith.cmpi sgt, %jit3A, %sign3A_9 : i32
    %sign3A_11 = arith.extui %sign3A_10 : i1 to i32
    %sign3A_12 = arith.constant 0 : i32
    %sign3A_13 = arith.cmpi slt, %jit3A, %sign3A_12 : i32
    %sign3A_14 = arith.extui %sign3A_13 : i1 to i32
    %sign3A_15 = arith.subi %sign3A_11, %sign3A_14 : i32
    %ne3A = arith.cmpi ne, %sign3A_8, %sign3A_15 : i32
    %rem3A = arith.remsi %mul3A_2, %jit3A : i32
    %ne3A_16 = arith.constant 0 : i32
    %ne3A_17 = arith.cmpi ne, %rem3A, %ne3A_16 : i32
    %and3A = arith.andi %ne3A, %ne3A_17 : i1
    %sub3A = arith.constant 1 : i32
    %sub3A_18 = arith.subi %div3A, %sub3A : i32
    %select_n3A = arith.select %and3A, %sub3A_18, %div3A : i32
    %add3A_19 = arith.constant 480 : i32
    %add3A_20 = arith.addi %mul3A_2, %add3A_19 : i32
    %sub3A_21 = arith.constant 1 : i32
    %sub3A_22 = arith.subi %add3A_20, %sub3A_21 : i32
    %jit3A_23 = arith.constant 512 : i32
    %div3A_24 = arith.divsi %sub3A_22, %jit3A_23 : i32
    %sign3A_25 = arith.constant 0 : i32
    %sign3A_26 = arith.cmpi sgt, %sub3A_22, %sign3A_25 : i32
    %sign3A_27 = arith.extui %sign3A_26 : i1 to i32
    %sign3A_28 = arith.constant 0 : i32
    %sign3A_29 = arith.cmpi slt, %sub3A_22, %sign3A_28 : i32
    %sign3A_30 = arith.extui %sign3A_29 : i1 to i32
    %sign3A_31 = arith.subi %sign3A_27, %sign3A_30 : i32
    %sign3A_32 = arith.constant 0 : i32
    %sign3A_33 = arith.cmpi sgt, %jit3A_23, %sign3A_32 : i32
    %sign3A_34 = arith.extui %sign3A_33 : i1 to i32
    %sign3A_35 = arith.constant 0 : i32
    %sign3A_36 = arith.cmpi slt, %jit3A_23, %sign3A_35 : i32
    %sign3A_37 = arith.extui %sign3A_36 : i1 to i32
    %sign3A_38 = arith.subi %sign3A_34, %sign3A_37 : i32
    %ne3A_39 = arith.cmpi ne, %sign3A_31, %sign3A_38 : i32
    %rem3A_40 = arith.remsi %sub3A_22, %jit3A_23 : i32
    %ne3A_41 = arith.constant 0 : i32
    %ne3A_42 = arith.cmpi ne, %rem3A_40, %ne3A_41 : i32
    %and3A_43 = arith.andi %ne3A_39, %ne3A_42 : i1
    %sub3A_44 = arith.constant 1 : i32
    %sub3A_45 = arith.subi %div3A_24, %sub3A_44 : i32
    %select_n3A_46 = arith.select %and3A_43, %sub3A_45, %div3A_24 : i32
    %mul3A_47 = arith.constant 4096 : i32
    %mul3A_48 = arith.muli %select_n3A, %mul3A_47 : i32
    %run_scoped3A = arith.constant 0 : i32
    "tpu.region"() ({
      %run_scoped3A_266 = tpu.sem_alloc : memref<!tpu.dma_semaphore, #tpu.memory_space<semaphore_mem>>
      %dma_start3A_267 = arith.constant 0 : i32
      %dma_start3A_268 = tpu.memref_slice %arg6[%run_scoped3A, %dma_start3A_267] : memref<2x4096xi32, #tpu.memory_space<vmem>> -> memref<1x4096xi32, #tpu.memory_space<vmem>>
      %dma_start3A_269 = tpu.memref_squeeze %dma_start3A_268 : memref<1x4096xi32, #tpu.memory_space<vmem>> -> memref<4096xi32, #tpu.memory_space<vmem>>
      %dma_start3A_270 = tpu.memref_slice %arg2[%mul3A_48] : memref<122880xi32, #tpu.memory_space<hbm>> -> memref<4096xi32, #tpu.memory_space<hbm>>
      %dma_start3A_271 = arith.constant 0 : i32
      %dma_start3A_272 = tpu.memref_slice %arg6[%run_scoped3A, %dma_start3A_271] : memref<2x4096xi32, #tpu.memory_space<vmem>> -> memref<1x4096xi32, #tpu.memory_space<vmem>>
      %dma_start3A_273 = tpu.memref_squeeze %dma_start3A_272 : memref<1x4096xi32, #tpu.memory_space<vmem>> -> memref<4096xi32, #tpu.memory_space<vmem>>
      %dma_start3A_274 = tpu.memref_slice %arg2[%mul3A_48] : memref<122880xi32, #tpu.memory_space<hbm>> -> memref<4096xi32, #tpu.memory_space<hbm>>
      tpu.enqueue_dma source(%dma_start3A_274 : memref<4096xi32, #tpu.memory_space<hbm>>) target(%dma_start3A_273 : memref<4096xi32, #tpu.memory_space<vmem>>) target_semaphore(%run_scoped3A_266 : memref<!tpu.dma_semaphore, #tpu.memory_space<semaphore_mem>>)
      %dma_wait3A_275 = arith.constant 0 : i32
      %dma_wait3A_276 = tpu.memref_slice %arg6[%run_scoped3A, %dma_wait3A_275] : memref<2x4096xi32, #tpu.memory_space<vmem>> -> memref<1x4096xi32, #tpu.memory_space<vmem>>
      %dma_wait3A_277 = tpu.memref_squeeze %dma_wait3A_276 : memref<1x4096xi32, #tpu.memory_space<vmem>> -> memref<4096xi32, #tpu.memory_space<vmem>>
      %dma_wait3A_278 = tpu.memref_slice %arg2[%mul3A_48] : memref<122880xi32, #tpu.memory_space<hbm>> -> memref<4096xi32, #tpu.memory_space<hbm>>
      %dma_wait3A_279 = arith.constant 0 : i32
      %dma_wait3A_280 = tpu.memref_slice %arg6[%run_scoped3A, %dma_wait3A_279] : memref<2x4096xi32, #tpu.memory_space<vmem>> -> memref<1x4096xi32, #tpu.memory_space<vmem>>
      %dma_wait3A_281 = tpu.memref_squeeze %dma_wait3A_280 : memref<1x4096xi32, #tpu.memory_space<vmem>> -> memref<4096xi32, #tpu.memory_space<vmem>>
      %dma_wait3A_282 = tpu.memref_slice %arg2[%mul3A_48] : memref<122880xi32, #tpu.memory_space<hbm>> -> memref<4096xi32, #tpu.memory_space<hbm>>
      tpu.wait_dma2 semaphore(%run_scoped3A_266 : memref<!tpu.dma_semaphore, #tpu.memory_space<semaphore_mem>>) src(%dma_wait3A_282 : memref<4096xi32, #tpu.memory_space<hbm>>) dst(%dma_wait3A_281 : memref<4096xi32, #tpu.memory_space<vmem>>)
      tpu.yield
    }) : () -> ()
    %mul3A_49 = arith.constant 4096 : i32
    %mul3A_50 = arith.muli %select_n3A_46, %mul3A_49 : i32
    %run_scoped3A_51 = arith.constant 1 : i32
    "tpu.region"() ({
      %run_scoped3A_266 = tpu.sem_alloc : memref<!tpu.dma_semaphore, #tpu.memory_space<semaphore_mem>>
      %dma_start3A_267 = arith.constant 0 : i32
      %dma_start3A_268 = tpu.memref_slice %arg6[%run_scoped3A_51, %dma_start3A_267] : memref<2x4096xi32, #tpu.memory_space<vmem>> -> memref<1x4096xi32, #tpu.memory_space<vmem>>
      %dma_start3A_269 = tpu.memref_squeeze %dma_start3A_268 : memref<1x4096xi32, #tpu.memory_space<vmem>> -> memref<4096xi32, #tpu.memory_space<vmem>>
      %dma_start3A_270 = tpu.memref_slice %arg2[%mul3A_50] : memref<122880xi32, #tpu.memory_space<hbm>> -> memref<4096xi32, #tpu.memory_space<hbm>>
      %dma_start3A_271 = arith.constant 0 : i32
      %dma_start3A_272 = tpu.memref_slice %arg6[%run_scoped3A_51, %dma_start3A_271] : memref<2x4096xi32, #tpu.memory_space<vmem>> -> memref<1x4096xi32, #tpu.memory_space<vmem>>
      %dma_start3A_273 = tpu.memref_squeeze %dma_start3A_272 : memref<1x4096xi32, #tpu.memory_space<vmem>> -> memref<4096xi32, #tpu.memory_space<vmem>>
      %dma_start3A_274 = tpu.memref_slice %arg2[%mul3A_50] : memref<122880xi32, #tpu.memory_space<hbm>> -> memref<4096xi32, #tpu.memory_space<hbm>>
      tpu.enqueue_dma source(%dma_start3A_274 : memref<4096xi32, #tpu.memory_space<hbm>>) target(%dma_start3A_273 : memref<4096xi32, #tpu.memory_space<vmem>>) target_semaphore(%run_scoped3A_266 : memref<!tpu.dma_semaphore, #tpu.memory_space<semaphore_mem>>)
      %dma_wait3A_275 = arith.constant 0 : i32
      %dma_wait3A_276 = tpu.memref_slice %arg6[%run_scoped3A_51, %dma_wait3A_275] : memref<2x4096xi32, #tpu.memory_space<vmem>> -> memref<1x4096xi32, #tpu.memory_space<vmem>>
      %dma_wait3A_277 = tpu.memref_squeeze %dma_wait3A_276 : memref<1x4096xi32, #tpu.memory_space<vmem>> -> memref<4096xi32, #tpu.memory_space<vmem>>
      %dma_wait3A_278 = tpu.memref_slice %arg2[%mul3A_50] : memref<122880xi32, #tpu.memory_space<hbm>> -> memref<4096xi32, #tpu.memory_space<hbm>>
      %dma_wait3A_279 = arith.constant 0 : i32
      %dma_wait3A_280 = tpu.memref_slice %arg6[%run_scoped3A_51, %dma_wait3A_279] : memref<2x4096xi32, #tpu.memory_space<vmem>> -> memref<1x4096xi32, #tpu.memory_space<vmem>>
      %dma_wait3A_281 = tpu.memref_squeeze %dma_wait3A_280 : memref<1x4096xi32, #tpu.memory_space<vmem>> -> memref<4096xi32, #tpu.memory_space<vmem>>
      %dma_wait3A_282 = tpu.memref_slice %arg2[%mul3A_50] : memref<122880xi32, #tpu.memory_space<hbm>> -> memref<4096xi32, #tpu.memory_space<hbm>>
      tpu.wait_dma2 semaphore(%run_scoped3A_266 : memref<!tpu.dma_semaphore, #tpu.memory_space<semaphore_mem>>) src(%dma_wait3A_282 : memref<4096xi32, #tpu.memory_space<hbm>>) dst(%dma_wait3A_281 : memref<4096xi32, #tpu.memory_space<vmem>>)
      tpu.yield
    }) : () -> ()
    %mul3A_52 = arith.constant 4096 : i32
    %mul3A_53 = arith.muli %select_n3A, %mul3A_52 : i32
    %run_scoped3A_54 = arith.constant 0 : i32
    "tpu.region"() ({
      %run_scoped3A_266 = tpu.sem_alloc : memref<!tpu.dma_semaphore, #tpu.memory_space<semaphore_mem>>
      %dma_start3A_267 = arith.constant 0 : i32
      %dma_start3A_268 = tpu.memref_slice %arg7[%run_scoped3A_54, %dma_start3A_267] : memref<2x4096xi32, #tpu.memory_space<vmem>> -> memref<1x4096xi32, #tpu.memory_space<vmem>>
      %dma_start3A_269 = tpu.memref_squeeze %dma_start3A_268 : memref<1x4096xi32, #tpu.memory_space<vmem>> -> memref<4096xi32, #tpu.memory_space<vmem>>
      %dma_start3A_270 = tpu.memref_slice %arg3[%mul3A_53] : memref<122880xi32, #tpu.memory_space<hbm>> -> memref<4096xi32, #tpu.memory_space<hbm>>
      %dma_start3A_271 = arith.constant 0 : i32
      %dma_start3A_272 = tpu.memref_slice %arg7[%run_scoped3A_54, %dma_start3A_271] : memref<2x4096xi32, #tpu.memory_space<vmem>> -> memref<1x4096xi32, #tpu.memory_space<vmem>>
      %dma_start3A_273 = tpu.memref_squeeze %dma_start3A_272 : memref<1x4096xi32, #tpu.memory_space<vmem>> -> memref<4096xi32, #tpu.memory_space<vmem>>
      %dma_start3A_274 = tpu.memref_slice %arg3[%mul3A_53] : memref<122880xi32, #tpu.memory_space<hbm>> -> memref<4096xi32, #tpu.memory_space<hbm>>
      tpu.enqueue_dma source(%dma_start3A_274 : memref<4096xi32, #tpu.memory_space<hbm>>) target(%dma_start3A_273 : memref<4096xi32, #tpu.memory_space<vmem>>) target_semaphore(%run_scoped3A_266 : memref<!tpu.dma_semaphore, #tpu.memory_space<semaphore_mem>>)
      %dma_wait3A_275 = arith.constant 0 : i32
      %dma_wait3A_276 = tpu.memref_slice %arg7[%run_scoped3A_54, %dma_wait3A_275] : memref<2x4096xi32, #tpu.memory_space<vmem>> -> memref<1x4096xi32, #tpu.memory_space<vmem>>
      %dma_wait3A_277 = tpu.memref_squeeze %dma_wait3A_276 : memref<1x4096xi32, #tpu.memory_space<vmem>> -> memref<4096xi32, #tpu.memory_space<vmem>>
      %dma_wait3A_278 = tpu.memref_slice %arg3[%mul3A_53] : memref<122880xi32, #tpu.memory_space<hbm>> -> memref<4096xi32, #tpu.memory_space<hbm>>
      %dma_wait3A_279 = arith.constant 0 : i32
      %dma_wait3A_280 = tpu.memref_slice %arg7[%run_scoped3A_54, %dma_wait3A_279] : memref<2x4096xi32, #tpu.memory_space<vmem>> -> memref<1x4096xi32, #tpu.memory_space<vmem>>
      %dma_wait3A_281 = tpu.memref_squeeze %dma_wait3A_280 : memref<1x4096xi32, #tpu.memory_space<vmem>> -> memref<4096xi32, #tpu.memory_space<vmem>>
      %dma_wait3A_282 = tpu.memref_slice %arg3[%mul3A_53] : memref<122880xi32, #tpu.memory_space<hbm>> -> memref<4096xi32, #tpu.memory_space<hbm>>
      tpu.wait_dma2 semaphore(%run_scoped3A_266 : memref<!tpu.dma_semaphore, #tpu.memory_space<semaphore_mem>>) src(%dma_wait3A_282 : memref<4096xi32, #tpu.memory_space<hbm>>) dst(%dma_wait3A_281 : memref<4096xi32, #tpu.memory_space<vmem>>)
      tpu.yield
    }) : () -> ()
    %mul3A_55 = arith.constant 4096 : i32
    %mul3A_56 = arith.muli %select_n3A_46, %mul3A_55 : i32
    %run_scoped3A_57 = arith.constant 1 : i32
    "tpu.region"() ({
      %run_scoped3A_266 = tpu.sem_alloc : memref<!tpu.dma_semaphore, #tpu.memory_space<semaphore_mem>>
      %dma_start3A_267 = arith.constant 0 : i32
      %dma_start3A_268 = tpu.memref_slice %arg7[%run_scoped3A_57, %dma_start3A_267] : memref<2x4096xi32, #tpu.memory_space<vmem>> -> memref<1x4096xi32, #tpu.memory_space<vmem>>
      %dma_start3A_269 = tpu.memref_squeeze %dma_start3A_268 : memref<1x4096xi32, #tpu.memory_space<vmem>> -> memref<4096xi32, #tpu.memory_space<vmem>>
      %dma_start3A_270 = tpu.memref_slice %arg3[%mul3A_56] : memref<122880xi32, #tpu.memory_space<hbm>> -> memref<4096xi32, #tpu.memory_space<hbm>>
      %dma_start3A_271 = arith.constant 0 : i32
      %dma_start3A_272 = tpu.memref_slice %arg7[%run_scoped3A_57, %dma_start3A_271] : memref<2x4096xi32, #tpu.memory_space<vmem>> -> memref<1x4096xi32, #tpu.memory_space<vmem>>
      %dma_start3A_273 = tpu.memref_squeeze %dma_start3A_272 : memref<1x4096xi32, #tpu.memory_space<vmem>> -> memref<4096xi32, #tpu.memory_space<vmem>>
      %dma_start3A_274 = tpu.memref_slice %arg3[%mul3A_56] : memref<122880xi32, #tpu.memory_space<hbm>> -> memref<4096xi32, #tpu.memory_space<hbm>>
      tpu.enqueue_dma source(%dma_start3A_274 : memref<4096xi32, #tpu.memory_space<hbm>>) target(%dma_start3A_273 : memref<4096xi32, #tpu.memory_space<vmem>>) target_semaphore(%run_scoped3A_266 : memref<!tpu.dma_semaphore, #tpu.memory_space<semaphore_mem>>)
      %dma_wait3A_275 = arith.constant 0 : i32
      %dma_wait3A_276 = tpu.memref_slice %arg7[%run_scoped3A_57, %dma_wait3A_275] : memref<2x4096xi32, #tpu.memory_space<vmem>> -> memref<1x4096xi32, #tpu.memory_space<vmem>>
      %dma_wait3A_277 = tpu.memref_squeeze %dma_wait3A_276 : memref<1x4096xi32, #tpu.memory_space<vmem>> -> memref<4096xi32, #tpu.memory_space<vmem>>
      %dma_wait3A_278 = tpu.memref_slice %arg3[%mul3A_56] : memref<122880xi32, #tpu.memory_space<hbm>> -> memref<4096xi32, #tpu.memory_space<hbm>>
      %dma_wait3A_279 = arith.constant 0 : i32
      %dma_wait3A_280 = tpu.memref_slice %arg7[%run_scoped3A_57, %dma_wait3A_279] : memref<2x4096xi32, #tpu.memory_space<vmem>> -> memref<1x4096xi32, #tpu.memory_space<vmem>>
      %dma_wait3A_281 = tpu.memref_squeeze %dma_wait3A_280 : memref<1x4096xi32, #tpu.memory_space<vmem>> -> memref<4096xi32, #tpu.memory_space<vmem>>
      %dma_wait3A_282 = tpu.memref_slice %arg3[%mul3A_56] : memref<122880xi32, #tpu.memory_space<hbm>> -> memref<4096xi32, #tpu.memory_space<hbm>>
      tpu.wait_dma2 semaphore(%run_scoped3A_266 : memref<!tpu.dma_semaphore, #tpu.memory_space<semaphore_mem>>) src(%dma_wait3A_282 : memref<4096xi32, #tpu.memory_space<hbm>>) dst(%dma_wait3A_281 : memref<4096xi32, #tpu.memory_space<vmem>>)
      tpu.yield
    }) : () -> ()
    %iota3A = tpu.iota {dimensions = array<i32: 0>} : vector<16xi32>
    %and3A_58 = arith.constant 7 : i32
    %and3A_59 = vector.broadcast %and3A_58 : i32 to vector<16xi32>
    %and3A_60 = arith.andi %iota3A, %and3A_59 : vector<16xi32>
    %shift_right_logical3A = arith.constant 3 : i32
    %shift_right_logical3A_61 = vector.broadcast %shift_right_logical3A : i32 to vector<16xi32>
    %shift_right_logical3A_62 = arith.shrui %iota3A, %shift_right_logical3A_61 : vector<16xi32>
    %mul3A_63 = arith.constant 8 : i32
    %mul3A_64 = arith.muli %mul3A_2, %mul3A_63 : i32
    %mul3A_65 = arith.constant 6 : i32
    %mul3A_66 = arith.muli %mul3A_64, %mul3A_65 : i32
    %multiple_of3A = tpu.assume_multiple %mul3A_66, 23040 : i32
    %add3A_67 = arith.constant 0 : i32
    %add3A_68 = arith.addi %mul3A_2, %add3A_67 : i32
    %jit3A_69 = arith.constant 512 : i32
    %div3A_70 = arith.divsi %add3A_68, %jit3A_69 : i32
    %sign3A_71 = arith.constant 0 : i32
    %sign3A_72 = arith.cmpi sgt, %add3A_68, %sign3A_71 : i32
    %sign3A_73 = arith.extui %sign3A_72 : i1 to i32
    %sign3A_74 = arith.constant 0 : i32
    %sign3A_75 = arith.cmpi slt, %add3A_68, %sign3A_74 : i32
    %sign3A_76 = arith.extui %sign3A_75 : i1 to i32
    %sign3A_77 = arith.subi %sign3A_73, %sign3A_76 : i32
    %sign3A_78 = arith.constant 0 : i32
    %sign3A_79 = arith.cmpi sgt, %jit3A_69, %sign3A_78 : i32
    %sign3A_80 = arith.extui %sign3A_79 : i1 to i32
    %sign3A_81 = arith.constant 0 : i32
    %sign3A_82 = arith.cmpi slt, %jit3A_69, %sign3A_81 : i32
    %sign3A_83 = arith.extui %sign3A_82 : i1 to i32
    %sign3A_84 = arith.subi %sign3A_80, %sign3A_83 : i32
    %ne3A_85 = arith.cmpi ne, %sign3A_77, %sign3A_84 : i32
    %rem3A_86 = arith.remsi %add3A_68, %jit3A_69 : i32
    %ne3A_87 = arith.constant 0 : i32
    %ne3A_88 = arith.cmpi ne, %rem3A_86, %ne3A_87 : i32
    %and3A_89 = arith.andi %ne3A_85, %ne3A_88 : i1
    %sub3A_90 = arith.constant 1 : i32
    %sub3A_91 = arith.subi %div3A_70, %sub3A_90 : i32
    %select_n3A_92 = arith.select %and3A_89, %sub3A_91, %div3A_70 : i32
    %jit3A_93 = arith.constant 512 : i32
    %eq3A = arith.constant 0 : i32
    %eq3A_94 = arith.cmpi eq, %jit3A_93, %eq3A : i32
    %jit3A_95 = arith.constant 1 : i32
    %select_n3A_96 = arith.select %eq3A_94, %jit3A_95, %jit3A_93 : i32
    %rem3A_97 = arith.remsi %add3A_68, %select_n3A_96 : i32
    %ne3A_98 = arith.constant 0 : i32
    %ne3A_99 = arith.cmpi ne, %rem3A_97, %ne3A_98 : i32
    %lt3A = arith.constant 0 : i32
    %lt3A_100 = arith.cmpi slt, %rem3A_97, %lt3A : i32
    %lt3A_101 = arith.constant 0 : i32
    %lt3A_102 = arith.cmpi slt, %select_n3A_96, %lt3A_101 : i32
    %ne3A_103 = arith.xori %lt3A_100, %lt3A_102 : i1
    %and3A_104 = arith.andi %ne3A_103, %ne3A_99 : i1
    %add3A_105 = arith.addi %rem3A_97, %select_n3A_96 : i32
    %select_n3A_106 = arith.select %and3A_104, %add3A_105, %rem3A_97 : i32
    %sub3A_107 = arith.subi %select_n3A_92, %select_n3A : i32
    %scan3A = arith.constant 0 : i32
    %scan3A_108 = arith.constant 0 : i32
    %scan3A_109 = arith.constant 12 : i32
    %scan3A_110 = arith.addi %scan3A_108, %scan3A_109 : i32
    %scan3A_111 = arith.constant 1 : i32
    scf.for %scan3A_266 = %scan3A_108 to %scan3A_110 step %scan3A_111  : i32 {
      %mul3A_267 = arith.constant 16 : i32
      %mul3A_268 = arith.muli %scan3A_266, %mul3A_267 : i32
      %multiple_of3A_269 = tpu.assume_multiple %mul3A_268, 16 : i32
      %jit3A_270 = arith.constant 48 : i32
      %div3A_271 = arith.divsi %multiple_of3A_269, %jit3A_270 : i32
      %sign3A_272 = arith.constant 0 : i32
      %sign3A_273 = arith.cmpi sgt, %multiple_of3A_269, %sign3A_272 : i32
      %sign3A_274 = arith.extui %sign3A_273 : i1 to i32
      %sign3A_275 = arith.constant 0 : i32
      %sign3A_276 = arith.cmpi slt, %multiple_of3A_269, %sign3A_275 : i32
      %sign3A_277 = arith.extui %sign3A_276 : i1 to i32
      %sign3A_278 = arith.subi %sign3A_274, %sign3A_277 : i32
      %sign3A_279 = arith.constant 0 : i32
      %sign3A_280 = arith.cmpi sgt, %jit3A_270, %sign3A_279 : i32
      %sign3A_281 = arith.extui %sign3A_280 : i1 to i32
      %sign3A_282 = arith.constant 0 : i32
      %sign3A_283 = arith.cmpi slt, %jit3A_270, %sign3A_282 : i32
      %sign3A_284 = arith.extui %sign3A_283 : i1 to i32
      %sign3A_285 = arith.subi %sign3A_281, %sign3A_284 : i32
      %ne3A_286 = arith.cmpi ne, %sign3A_278, %sign3A_285 : i32
      %rem3A_287 = arith.remsi %multiple_of3A_269, %jit3A_270 : i32
      %ne3A_288 = arith.constant 0 : i32
      %ne3A_289 = arith.cmpi ne, %rem3A_287, %ne3A_288 : i32
      %and3A_290 = arith.andi %ne3A_286, %ne3A_289 : i1
      %sub3A_291 = arith.constant 1 : i32
      %sub3A_292 = arith.subi %div3A_271, %sub3A_291 : i32
      %select_n3A_293 = arith.select %and3A_290, %sub3A_292, %div3A_271 : i32
      %add3A_294 = arith.addi %select_n3A_106, %select_n3A_293 : i32
      %jit3A_295 = arith.constant 48 : i32
      %eq3A_296 = arith.constant 0 : i32
      %eq3A_297 = arith.cmpi eq, %jit3A_295, %eq3A_296 : i32
      %jit3A_298 = arith.constant 1 : i32
      %select_n3A_299 = arith.select %eq3A_297, %jit3A_298, %jit3A_295 : i32
      %rem3A_300 = arith.remsi %multiple_of3A_269, %select_n3A_299 : i32
      %ne3A_301 = arith.constant 0 : i32
      %ne3A_302 = arith.cmpi ne, %rem3A_300, %ne3A_301 : i32
      %lt3A_303 = arith.constant 0 : i32
      %lt3A_304 = arith.cmpi slt, %rem3A_300, %lt3A_303 : i32
      %lt3A_305 = arith.constant 0 : i32
      %lt3A_306 = arith.cmpi slt, %select_n3A_299, %lt3A_305 : i32
      %ne3A_307 = arith.xori %lt3A_304, %lt3A_306 : i1
      %and3A_308 = arith.andi %ne3A_307, %ne3A_302 : i1
      %add3A_309 = arith.addi %rem3A_300, %select_n3A_299 : i32
      %select_n3A_310 = arith.select %and3A_308, %add3A_309, %rem3A_300 : i32
      %mul3A_311 = arith.constant 8 : i32
      %mul3A_312 = arith.muli %add3A_294, %mul3A_311 : i32
      %add3A_313 = vector.broadcast %mul3A_312 : i32 to vector<16xi32>
      %add3A_314 = arith.addi %add3A_313, %and3A_60 : vector<16xi32>
      %jit3A_315 = arith.constant 8 : i32
      %div3A_316 = arith.divsi %select_n3A_310, %jit3A_315 : i32
      %sign3A_317 = arith.constant 0 : i32
      %sign3A_318 = arith.cmpi sgt, %select_n3A_310, %sign3A_317 : i32
      %sign3A_319 = arith.extui %sign3A_318 : i1 to i32
      %sign3A_320 = arith.constant 0 : i32
      %sign3A_321 = arith.cmpi slt, %select_n3A_310, %sign3A_320 : i32
      %sign3A_322 = arith.extui %sign3A_321 : i1 to i32
      %sign3A_323 = arith.subi %sign3A_319, %sign3A_322 : i32
      %sign3A_324 = arith.constant 0 : i32
      %sign3A_325 = arith.cmpi sgt, %jit3A_315, %sign3A_324 : i32
      %sign3A_326 = arith.extui %sign3A_325 : i1 to i32
      %sign3A_327 = arith.constant 0 : i32
      %sign3A_328 = arith.cmpi slt, %jit3A_315, %sign3A_327 : i32
      %sign3A_329 = arith.extui %sign3A_328 : i1 to i32
      %sign3A_330 = arith.subi %sign3A_326, %sign3A_329 : i32
      %ne3A_331 = arith.cmpi ne, %sign3A_323, %sign3A_330 : i32
      %rem3A_332 = arith.remsi %select_n3A_310, %jit3A_315 : i32
      %ne3A_333 = arith.constant 0 : i32
      %ne3A_334 = arith.cmpi ne, %rem3A_332, %ne3A_333 : i32
      %and3A_335 = arith.andi %ne3A_331, %ne3A_334 : i1
      %sub3A_336 = arith.constant 1 : i32
      %sub3A_337 = arith.subi %div3A_316, %sub3A_336 : i32
      %select_n3A_338 = arith.select %and3A_335, %sub3A_337, %div3A_316 : i32
      %add3A_339 = vector.broadcast %select_n3A_338 : i32 to vector<16xi32>
      %add3A_340 = arith.addi %add3A_339, %shift_right_logical3A_62 : vector<16xi32>
      %broadcast_in_dim3A = vector.broadcast %sub3A_107 : i32 to vector<16xi32>
      %gather3A = tpu.vector_load_idx %arg6[%broadcast_in_dim3A, %add3A_314] : memref<2x4096xi32, #tpu.memory_space<vmem>>[vector<16xi32>, vector<16xi32>], vector<16xi32>,
      %gather3A_341 = tpu.vector_load_idx %arg7[%broadcast_in_dim3A, %add3A_314] : memref<2x4096xi32, #tpu.memory_space<vmem>>[vector<16xi32>, vector<16xi32>], vector<16xi32>,
      %mul3A_342 = arith.constant 2 : i32
      %mul3A_343 = vector.broadcast %mul3A_342 : i32 to vector<16xi32>
      %mul3A_344 = arith.muli %gather3A, %mul3A_343 : vector<16xi32>
      %add3A_345 = arith.addi %mul3A_344, %gather3A_341 : vector<16xi32>
      %mul3A_346 = arith.constant 30 : i32
      %mul3A_347 = vector.broadcast %mul3A_346 : i32 to vector<16xi32>
      %mul3A_348 = arith.muli %add3A_345, %mul3A_347 : vector<16xi32>
      %add3A_349 = vector.broadcast %select_n3A_92 : i32 to vector<16xi32>
      %add3A_350 = arith.addi %mul3A_348, %add3A_349 : vector<16xi32>
      %mul3A_351 = arith.constant 240 : i32
      %mul3A_352 = vector.broadcast %mul3A_351 : i32 to vector<16xi32>
      %mul3A_353 = arith.muli %add3A_340, %mul3A_352 : vector<16xi32>
      %add3A_354 = arith.addi %mul3A_353, %add3A_350 : vector<16xi32>
      %swap3A = arith.index_cast %multiple_of3A_269 : i32 to index
      %swap3A_355 = tpu.vector_load %arg8[%swap3A] {strides = array<i32>} : memref<192xi32, #tpu.memory_space<vmem>>, vector<16xi32>,
      tpu.vector_store %arg8[%swap3A], %add3A_354 {strides = array<i32>} : memref<192xi32, #tpu.memory_space<vmem>>, vector<16xi32>,
    }
    %scan3A_112 = arith.constant 12 : i32
    %dma_start3A = arith.constant 0 : i32
    %dma_start3A_113 = arith.constant 0 : i32
    %dma_start3A_114 = arith.constant 0 : i32
    %dma_start3A_115 = tpu.memref_slice %arg11[%dma_start3A, %dma_start3A_113, %dma_start3A_114] : memref<3x192x128xf32, #tpu.memory_space<vmem>> -> memref<1x192x128xf32, #tpu.memory_space<vmem>>
    %dma_start3A_116 = tpu.memref_squeeze %dma_start3A_115 : memref<1x192x128xf32, #tpu.memory_space<vmem>> -> memref<192x128xf32, #tpu.memory_space<vmem>>
    %dma_start3A_117 = arith.constant 0 : i32
    %dma_start3A_118 = arith.constant 0 : i32
    %dma_start3A_119 = tpu.memref_slice %dma_start3A_116[%dma_start3A_117, %dma_start3A_118] : memref<192x128xf32, #tpu.memory_space<vmem>> -> memref<128x128xf32, #tpu.memory_space<vmem>>
    %dma_start3A_120 = arith.constant 0 : i32
    %dma_start3A_121 = tpu.memref_slice %arg8[%dma_start3A_120] : memref<192xi32, #tpu.memory_space<vmem>> -> memref<128xi32, #tpu.memory_space<vmem>>
    %dma_start3A_122 = arith.constant 0 : i32
    %dma_start3A_123 = arith.constant 0 : i32
    %dma_start3A_124 = tpu.memref_slice %arg4[%dma_start3A_122, %dma_start3A_123] : memref<1440x128xf32, #tpu.memory_space<hbm>> -> memref<1440x128xf32, #tpu.memory_space<hbm>>
    tpu.enqueue_indirect_dma source(%dma_start3A_124 : memref<1440x128xf32, #tpu.memory_space<hbm>>) target(%dma_start3A_119 : memref<128x128xf32, #tpu.memory_space<vmem>>) offsets(%dma_start3A_121 : memref<128xi32, #tpu.memory_space<vmem>>) semaphore(%arg12 : memref<!tpu.dma_semaphore, #tpu.memory_space<semaphore_mem>>)
    %dma_start3A_125 = arith.constant 0 : i32
    %dma_start3A_126 = arith.constant 0 : i32
    %dma_start3A_127 = arith.constant 0 : i32
    %dma_start3A_128 = tpu.memref_slice %arg11[%dma_start3A_125, %dma_start3A_126, %dma_start3A_127] : memref<3x192x128xf32, #tpu.memory_space<vmem>> -> memref<1x192x128xf32, #tpu.memory_space<vmem>>
    %dma_start3A_129 = tpu.memref_squeeze %dma_start3A_128 : memref<1x192x128xf32, #tpu.memory_space<vmem>> -> memref<192x128xf32, #tpu.memory_space<vmem>>
    %dma_start3A_130 = arith.constant 128 : i32
    %dma_start3A_131 = arith.constant 0 : i32
    %dma_start3A_132 = tpu.memref_slice %dma_start3A_129[%dma_start3A_130, %dma_start3A_131] : memref<192x128xf32, #tpu.memory_space<vmem>> -> memref<64x128xf32, #tpu.memory_space<vmem>>
    %dma_start3A_133 = arith.constant 128 : i32
    %dma_start3A_134 = tpu.memref_slice %arg8[%dma_start3A_133] : memref<192xi32, #tpu.memory_space<vmem>> -> memref<64xi32, #tpu.memory_space<vmem>>
    %dma_start3A_135 = arith.constant 0 : i32
    %dma_start3A_136 = arith.constant 0 : i32
    %dma_start3A_137 = tpu.memref_slice %arg4[%dma_start3A_135, %dma_start3A_136] : memref<1440x128xf32, #tpu.memory_space<hbm>> -> memref<1440x128xf32, #tpu.memory_space<hbm>>
    tpu.enqueue_indirect_dma source(%dma_start3A_137 : memref<1440x128xf32, #tpu.memory_space<hbm>>) target(%dma_start3A_132 : memref<64x128xf32, #tpu.memory_space<vmem>>) offsets(%dma_start3A_134 : memref<64xi32, #tpu.memory_space<vmem>>) semaphore(%arg12 : memref<!tpu.dma_semaphore, #tpu.memory_space<semaphore_mem>>)
    %add3A_138 = arith.constant 4 : i32
    %add3A_139 = arith.addi %mul3A_2, %add3A_138 : i32
    %jit3A_140 = arith.constant 512 : i32
    %div3A_141 = arith.divsi %add3A_139, %jit3A_140 : i32
    %sign3A_142 = arith.constant 0 : i32
    %sign3A_143 = arith.cmpi sgt, %add3A_139, %sign3A_142 : i32
    %sign3A_144 = arith.extui %sign3A_143 : i1 to i32
    %sign3A_145 = arith.constant 0 : i32
    %sign3A_146 = arith.cmpi slt, %add3A_139, %sign3A_145 : i32
    %sign3A_147 = arith.extui %sign3A_146 : i1 to i32
    %sign3A_148 = arith.subi %sign3A_144, %sign3A_147 : i32
    %sign3A_149 = arith.constant 0 : i32
    %sign3A_150 = arith.cmpi sgt, %jit3A_140, %sign3A_149 : i32
    %sign3A_151 = arith.extui %sign3A_150 : i1 to i32
    %sign3A_152 = arith.constant 0 : i32
    %sign3A_153 = arith.cmpi slt, %jit3A_140, %sign3A_152 : i32
    %sign3A_154 = arith.extui %sign3A_153 : i1 to i32
    %sign3A_155 = arith.subi %sign3A_151, %sign3A_154 : i32
    %ne3A_156 = arith.cmpi ne, %sign3A_148, %sign3A_155 : i32
    %rem3A_157 = arith.remsi %add3A_139, %jit3A_140 : i32
    %ne3A_158 = arith.constant 0 : i32
    %ne3A_159 = arith.cmpi ne, %rem3A_157, %ne3A_158 : i32
    %and3A_160 = arith.andi %ne3A_156, %ne3A_159 : i1
    %sub3A_161 = arith.constant 1 : i32
    %sub3A_162 = arith.subi %div3A_141, %sub3A_161 : i32
    %select_n3A_163 = arith.select %and3A_160, %sub3A_162, %div3A_141 : i32
    %jit3A_164 = arith.constant 512 : i32
    %eq3A_165 = arith.constant 0 : i32
    %eq3A_166 = arith.cmpi eq, %jit3A_164, %eq3A_165 : i32
    %jit3A_167 = arith.constant 1 : i32
    %select_n3A_168 = arith.select %eq3A_166, %jit3A_167, %jit3A_164 : i32
    %rem3A_169 = arith.remsi %add3A_139, %select_n3A_168 : i32
    %ne3A_170 = arith.constant 0 : i32
    %ne3A_171 = arith.cmpi ne, %rem3A_169, %ne3A_170 : i32
    %lt3A_172 = arith.constant 0 : i32
    %lt3A_173 = arith.cmpi slt, %rem3A_169, %lt3A_172 : i32
    %lt3A_174 = arith.constant 0 : i32
    %lt3A_175 = arith.cmpi slt, %select_n3A_168, %lt3A_174 : i32
    %ne3A_176 = arith.xori %lt3A_173, %lt3A_175 : i1
    %and3A_177 = arith.andi %ne3A_176, %ne3A_171 : i1
    %add3A_178 = arith.addi %rem3A_169, %select_n3A_168 : i32
    %select_n3A_179 = arith.select %and3A_177, %add3A_178, %rem3A_169 : i32
    %sub3A_180 = arith.subi %select_n3A_163, %select_n3A : i32
    %scan3A_181 = arith.constant 0 : i32
    %scan3A_182 = arith.constant 0 : i32
    %scan3A_183 = arith.constant 12 : i32
    %scan3A_184 = arith.addi %scan3A_182, %scan3A_183 : i32
    %scan3A_185 = arith.constant 1 : i32
    scf.for %scan3A_266 = %scan3A_182 to %scan3A_184 step %scan3A_185  : i32 {
      %mul3A_267 = arith.constant 16 : i32
      %mul3A_268 = arith.muli %scan3A_266, %mul3A_267 : i32
      %multiple_of3A_269 = tpu.assume_multiple %mul3A_268, 16 : i32
      %jit3A_270 = arith.constant 48 : i32
      %div3A_271 = arith.divsi %multiple_of3A_269, %jit3A_270 : i32
      %sign3A_272 = arith.constant 0 : i32
      %sign3A_273 = arith.cmpi sgt, %multiple_of3A_269, %sign3A_272 : i32
      %sign3A_274 = arith.extui %sign3A_273 : i1 to i32
      %sign3A_275 = arith.constant 0 : i32
      %sign3A_276 = arith.cmpi slt, %multiple_of3A_269, %sign3A_275 : i32
      %sign3A_277 = arith.extui %sign3A_276 : i1 to i32
      %sign3A_278 = arith.subi %sign3A_274, %sign3A_277 : i32
      %sign3A_279 = arith.constant 0 : i32
      %sign3A_280 = arith.cmpi sgt, %jit3A_270, %sign3A_279 : i32
      %sign3A_281 = arith.extui %sign3A_280 : i1 to i32
      %sign3A_282 = arith.constant 0 : i32
      %sign3A_283 = arith.cmpi slt, %jit3A_270, %sign3A_282 : i32
      %sign3A_284 = arith.extui %sign3A_283 : i1 to i32
      %sign3A_285 = arith.subi %sign3A_281, %sign3A_284 : i32
      %ne3A_286 = arith.cmpi ne, %sign3A_278, %sign3A_285 : i32
      %rem3A_287 = arith.remsi %multiple_of3A_269, %jit3A_270 : i32
      %ne3A_288 = arith.constant 0 : i32
      %ne3A_289 = arith.cmpi ne, %rem3A_287, %ne3A_288 : i32
      %and3A_290 = arith.andi %ne3A_286, %ne3A_289 : i1
      %sub3A_291 = arith.constant 1 : i32
      %sub3A_292 = arith.subi %div3A_271, %sub3A_291 : i32
      %select_n3A_293 = arith.select %and3A_290, %sub3A_292, %div3A_271 : i32
      %add3A_294 = arith.addi %select_n3A_179, %select_n3A_293 : i32
      %jit3A_295 = arith.constant 48 : i32
      %eq3A_296 = arith.constant 0 : i32
      %eq3A_297 = arith.cmpi eq, %jit3A_295, %eq3A_296 : i32
      %jit3A_298 = arith.constant 1 : i32
      %select_n3A_299 = arith.select %eq3A_297, %jit3A_298, %jit3A_295 : i32
      %rem3A_300 = arith.remsi %multiple_of3A_269, %select_n3A_299 : i32
      %ne3A_301 = arith.constant 0 : i32
      %ne3A_302 = arith.cmpi ne, %rem3A_300, %ne3A_301 : i32
      %lt3A_303 = arith.constant 0 : i32
      %lt3A_304 = arith.cmpi slt, %rem3A_300, %lt3A_303 : i32
      %lt3A_305 = arith.constant 0 : i32
      %lt3A_306 = arith.cmpi slt, %select_n3A_299, %lt3A_305 : i32
      %ne3A_307 = arith.xori %lt3A_304, %lt3A_306 : i1
      %and3A_308 = arith.andi %ne3A_307, %ne3A_302 : i1
      %add3A_309 = arith.addi %rem3A_300, %select_n3A_299 : i32
      %select_n3A_310 = arith.select %and3A_308, %add3A_309, %rem3A_300 : i32
      %mul3A_311 = arith.constant 8 : i32
      %mul3A_312 = arith.muli %add3A_294, %mul3A_311 : i32
      %add3A_313 = vector.broadcast %mul3A_312 : i32 to vector<16xi32>
      %add3A_314 = arith.addi %add3A_313, %and3A_60 : vector<16xi32>
      %jit3A_315 = arith.constant 8 : i32
      %div3A_316 = arith.divsi %select_n3A_310, %jit3A_315 : i32
      %sign3A_317 = arith.constant 0 : i32
      %sign3A_318 = arith.cmpi sgt, %select_n3A_310, %sign3A_317 : i32
      %sign3A_319 = arith.extui %sign3A_318 : i1 to i32
      %sign3A_320 = arith.constant 0 : i32
      %sign3A_321 = arith.cmpi slt, %select_n3A_310, %sign3A_320 : i32
      %sign3A_322 = arith.extui %sign3A_321 : i1 to i32
      %sign3A_323 = arith.subi %sign3A_319, %sign3A_322 : i32
      %sign3A_324 = arith.constant 0 : i32
      %sign3A_325 = arith.cmpi sgt, %jit3A_315, %sign3A_324 : i32
      %sign3A_326 = arith.extui %sign3A_325 : i1 to i32
      %sign3A_327 = arith.constant 0 : i32
      %sign3A_328 = arith.cmpi slt, %jit3A_315, %sign3A_327 : i32
      %sign3A_329 = arith.extui %sign3A_328 : i1 to i32
      %sign3A_330 = arith.subi %sign3A_326, %sign3A_329 : i32
      %ne3A_331 = arith.cmpi ne, %sign3A_323, %sign3A_330 : i32
      %rem3A_332 = arith.remsi %select_n3A_310, %jit3A_315 : i32
      %ne3A_333 = arith.constant 0 : i32
      %ne3A_334 = arith.cmpi ne, %rem3A_332, %ne3A_333 : i32
      %and3A_335 = arith.andi %ne3A_331, %ne3A_334 : i1
      %sub3A_336 = arith.constant 1 : i32
      %sub3A_337 = arith.subi %div3A_316, %sub3A_336 : i32
      %select_n3A_338 = arith.select %and3A_335, %sub3A_337, %div3A_316 : i32
      %add3A_339 = vector.broadcast %select_n3A_338 : i32 to vector<16xi32>
      %add3A_340 = arith.addi %add3A_339, %shift_right_logical3A_62 : vector<16xi32>
      %broadcast_in_dim3A = vector.broadcast %sub3A_180 : i32 to vector<16xi32>
      %gather3A = tpu.vector_load_idx %arg6[%broadcast_in_dim3A, %add3A_314] : memref<2x4096xi32, #tpu.memory_space<vmem>>[vector<16xi32>, vector<16xi32>], vector<16xi32>,
      %gather3A_341 = tpu.vector_load_idx %arg7[%broadcast_in_dim3A, %add3A_314] : memref<2x4096xi32, #tpu.memory_space<vmem>>[vector<16xi32>, vector<16xi32>], vector<16xi32>,
      %mul3A_342 = arith.constant 2 : i32
      %mul3A_343 = vector.broadcast %mul3A_342 : i32 to vector<16xi32>
      %mul3A_344 = arith.muli %gather3A, %mul3A_343 : vector<16xi32>
      %add3A_345 = arith.addi %mul3A_344, %gather3A_341 : vector<16xi32>
      %mul3A_346 = arith.constant 30 : i32
      %mul3A_347 = vector.broadcast %mul3A_346 : i32 to vector<16xi32>
      %mul3A_348 = arith.muli %add3A_345, %mul3A_347 : vector<16xi32>
      %add3A_349 = vector.broadcast %select_n3A_163 : i32 to vector<16xi32>
      %add3A_350 = arith.addi %mul3A_348, %add3A_349 : vector<16xi32>
      %mul3A_351 = arith.constant 240 : i32
      %mul3A_352 = vector.broadcast %mul3A_351 : i32 to vector<16xi32>
      %mul3A_353 = arith.muli %add3A_340, %mul3A_352 : vector<16xi32>
      %add3A_354 = arith.addi %mul3A_353, %add3A_350 : vector<16xi32>
      %swap3A = arith.index_cast %multiple_of3A_269 : i32 to index
      %swap3A_355 = tpu.vector_load %arg9[%swap3A] {strides = array<i32>} : memref<192xi32, #tpu.memory_space<vmem>>, vector<16xi32>,
      tpu.vector_store %arg9[%swap3A], %add3A_354 {strides = array<i32>} : memref<192xi32, #tpu.memory_space<vmem>>, vector<16xi32>,
    }
    %scan3A_186 = arith.constant 12 : i32
    %dma_start3A_187 = arith.constant 1 : i32
    %dma_start3A_188 = arith.constant 0 : i32
    %dma_start3A_189 = arith.constant 0 : i32
    %dma_start3A_190 = tpu.memref_slice %arg11[%dma_start3A_187, %dma_start3A_188, %dma_start3A_189] : memref<3x192x128xf32, #tpu.memory_space<vmem>> -> memref<1x192x128xf32, #tpu.memory_space<vmem>>
    %dma_start3A_191 = tpu.memref_squeeze %dma_start3A_190 : memref<1x192x128xf32, #tpu.memory_space<vmem>> -> memref<192x128xf32, #tpu.memory_space<vmem>>
    %dma_start3A_192 = arith.constant 0 : i32
    %dma_start3A_193 = arith.constant 0 : i32
    %dma_start3A_194 = tpu.memref_slice %dma_start3A_191[%dma_start3A_192, %dma_start3A_193] : memref<192x128xf32, #tpu.memory_space<vmem>> -> memref<128x128xf32, #tpu.memory_space<vmem>>
    %dma_start3A_195 = arith.constant 0 : i32
    %dma_start3A_196 = tpu.memref_slice %arg9[%dma_start3A_195] : memref<192xi32, #tpu.memory_space<vmem>> -> memref<128xi32, #tpu.memory_space<vmem>>
    %dma_start3A_197 = arith.constant 0 : i32
    %dma_start3A_198 = arith.constant 0 : i32
    %dma_start3A_199 = tpu.memref_slice %arg4[%dma_start3A_197, %dma_start3A_198] : memref<1440x128xf32, #tpu.memory_space<hbm>> -> memref<1440x128xf32, #tpu.memory_space<hbm>>
    tpu.enqueue_indirect_dma source(%dma_start3A_199 : memref<1440x128xf32, #tpu.memory_space<hbm>>) target(%dma_start3A_194 : memref<128x128xf32, #tpu.memory_space<vmem>>) offsets(%dma_start3A_196 : memref<128xi32, #tpu.memory_space<vmem>>) semaphore(%arg13 : memref<!tpu.dma_semaphore, #tpu.memory_space<semaphore_mem>>)
    %dma_start3A_200 = arith.constant 1 : i32
    %dma_start3A_201 = arith.constant 0 : i32
    %dma_start3A_202 = arith.constant 0 : i32
    %dma_start3A_203 = tpu.memref_slice %arg11[%dma_start3A_200, %dma_start3A_201, %dma_start3A_202] : memref<3x192x128xf32, #tpu.memory_space<vmem>> -> memref<1x192x128xf32, #tpu.memory_space<vmem>>
    %dma_start3A_204 = tpu.memref_squeeze %dma_start3A_203 : memref<1x192x128xf32, #tpu.memory_space<vmem>> -> memref<192x128xf32, #tpu.memory_space<vmem>>
    %dma_start3A_205 = arith.constant 128 : i32
    %dma_start3A_206 = arith.constant 0 : i32
    %dma_start3A_207 = tpu.memref_slice %dma_start3A_204[%dma_start3A_205, %dma_start3A_206] : memref<192x128xf32, #tpu.memory_space<vmem>> -> memref<64x128xf32, #tpu.memory_space<vmem>>
    %dma_start3A_208 = arith.constant 128 : i32
    %dma_start3A_209 = tpu.memref_slice %arg9[%dma_start3A_208] : memref<192xi32, #tpu.memory_space<vmem>> -> memref<64xi32, #tpu.memory_space<vmem>>
    %dma_start3A_210 = arith.constant 0 : i32
    %dma_start3A_211 = arith.constant 0 : i32
    %dma_start3A_212 = tpu.memref_slice %arg4[%dma_start3A_210, %dma_start3A_211] : memref<1440x128xf32, #tpu.memory_space<hbm>> -> memref<1440x128xf32, #tpu.memory_space<hbm>>
    tpu.enqueue_indirect_dma source(%dma_start3A_212 : memref<1440x128xf32, #tpu.memory_space<hbm>>) target(%dma_start3A_207 : memref<64x128xf32, #tpu.memory_space<vmem>>) offsets(%dma_start3A_209 : memref<64xi32, #tpu.memory_space<vmem>>) semaphore(%arg13 : memref<!tpu.dma_semaphore, #tpu.memory_space<semaphore_mem>>)
    %scan3A_213 = arith.constant 0 : i32
    %scan3A_214 = arith.constant 0 : i32
    %scan3A_215 = arith.constant 40 : i32
    %scan3A_216 = arith.addi %scan3A_214, %scan3A_215 : i32
    %scan3A_217 = arith.constant 1 : i32
    scf.for %scan3A_266 = %scan3A_214 to %scan3A_216 step %scan3A_217  : i32 {
      %mul3A_267 = arith.constant 3 : i32
      %mul3A_268 = arith.muli %scan3A_266, %mul3A_267 : i32
      %add3A_269 = arith.constant 0 : i32
      %add3A_270 = arith.addi %mul3A_268, %add3A_269 : i32
      %dma_wait3A_271 = arith.constant 0 : i32
      %dma_wait3A_272 = arith.constant 0 : i32
      %dma_wait3A_273 = arith.constant 0 : i32
      %dma_wait3A_274 = tpu.memref_slice %arg11[%dma_wait3A_271, %dma_wait3A_272, %dma_wait3A_273] : memref<3x192x128xf32, #tpu.memory_space<vmem>> -> memref<1x192x128xf32, #tpu.memory_space<vmem>>
      %dma_wait3A_275 = tpu.memref_squeeze %dma_wait3A_274 : memref<1x192x128xf32, #tpu.memory_space<vmem>> -> memref<192x128xf32, #tpu.memory_space<vmem>>
      %dma_wait3A_276 = arith.constant 0 : i32
      %dma_wait3A_277 = arith.constant 0 : i32
      %dma_wait3A_278 = tpu.memref_slice %dma_wait3A_275[%dma_wait3A_276, %dma_wait3A_277] : memref<192x128xf32, #tpu.memory_space<vmem>> -> memref<128x128xf32, #tpu.memory_space<vmem>>
      %dma_wait3A_279 = arith.constant 0 : i32
      %dma_wait3A_280 = tpu.memref_slice %arg8[%dma_wait3A_279] : memref<192xi32, #tpu.memory_space<vmem>> -> memref<128xi32, #tpu.memory_space<vmem>>
      %dma_wait3A_281 = arith.constant 0 : i32
      %dma_wait3A_282 = arith.constant 0 : i32
      %dma_wait3A_283 = tpu.memref_slice %arg4[%dma_wait3A_281, %dma_wait3A_282] : memref<1440x128xf32, #tpu.memory_space<hbm>> -> memref<1440x128xf32, #tpu.memory_space<hbm>>
      tpu.wait_indirect_dma semaphore(%arg12 : memref<!tpu.dma_semaphore, #tpu.memory_space<semaphore_mem>>) src(%dma_wait3A_283 : memref<1440x128xf32, #tpu.memory_space<hbm>>) dst(%dma_wait3A_278 : memref<128x128xf32, #tpu.memory_space<vmem>>)
      %dma_wait3A_284 = arith.constant 0 : i32
      %dma_wait3A_285 = arith.constant 0 : i32
      %dma_wait3A_286 = arith.constant 0 : i32
      %dma_wait3A_287 = tpu.memref_slice %arg11[%dma_wait3A_284, %dma_wait3A_285, %dma_wait3A_286] : memref<3x192x128xf32, #tpu.memory_space<vmem>> -> memref<1x192x128xf32, #tpu.memory_space<vmem>>
      %dma_wait3A_288 = tpu.memref_squeeze %dma_wait3A_287 : memref<1x192x128xf32, #tpu.memory_space<vmem>> -> memref<192x128xf32, #tpu.memory_space<vmem>>
      %dma_wait3A_289 = arith.constant 128 : i32
      %dma_wait3A_290 = arith.constant 0 : i32
      %dma_wait3A_291 = tpu.memref_slice %dma_wait3A_288[%dma_wait3A_289, %dma_wait3A_290] : memref<192x128xf32, #tpu.memory_space<vmem>> -> memref<64x128xf32, #tpu.memory_space<vmem>>
      %dma_wait3A_292 = arith.constant 128 : i32
      %dma_wait3A_293 = tpu.memref_slice %arg8[%dma_wait3A_292] : memref<192xi32, #tpu.memory_space<vmem>> -> memref<64xi32, #tpu.memory_space<vmem>>
      %dma_wait3A_294 = arith.constant 0 : i32
      %dma_wait3A_295 = arith.constant 0 : i32
      %dma_wait3A_296 = tpu.memref_slice %arg4[%dma_wait3A_294, %dma_wait3A_295] : memref<1440x128xf32, #tpu.memory_space<hbm>> -> memref<1440x128xf32, #tpu.memory_space<hbm>>
      tpu.wait_indirect_dma semaphore(%arg12 : memref<!tpu.dma_semaphore, #tpu.memory_space<semaphore_mem>>) src(%dma_wait3A_296 : memref<1440x128xf32, #tpu.memory_space<hbm>>) dst(%dma_wait3A_291 : memref<64x128xf32, #tpu.memory_space<vmem>>)
      %mul3A_297 = arith.constant 192 : i32
      %mul3A_298 = arith.muli %add3A_270, %mul3A_297 : i32
      %multiple_of3A_299 = tpu.assume_multiple %mul3A_298, 192 : i32
      %add3A_300 = arith.addi %multiple_of3A, %multiple_of3A_299 : i32
      %dma_start3A_301 = arith.constant 0 : i32
      %dma_start3A_302 = arith.constant 0 : i32
      %dma_start3A_303 = arith.constant 0 : i32
      %dma_start3A_304 = tpu.memref_slice %arg11[%dma_start3A_301, %dma_start3A_302, %dma_start3A_303] : memref<3x192x128xf32, #tpu.memory_space<vmem>> -> memref<1x192x128xf32, #tpu.memory_space<vmem>>
      %dma_start3A_305 = tpu.memref_squeeze %dma_start3A_304 : memref<1x192x128xf32, #tpu.memory_space<vmem>> -> memref<192x128xf32, #tpu.memory_space<vmem>>
      %dma_start3A_306 = arith.constant 0 : i32
      %dma_start3A_307 = tpu.memref_slice %arg5[%add3A_300, %dma_start3A_306] : memref<737280x128xf32, #tpu.memory_space<hbm>> -> memref<192x128xf32, #tpu.memory_space<hbm>>
      %dma_start3A_308 = arith.constant 0 : i32
      %dma_start3A_309 = tpu.memref_slice %arg5[%add3A_300, %dma_start3A_308] : memref<737280x128xf32, #tpu.memory_space<hbm>> -> memref<192x128xf32, #tpu.memory_space<hbm>>
      %dma_start3A_310 = arith.constant 0 : i32
      %dma_start3A_311 = arith.constant 0 : i32
      %dma_start3A_312 = tpu.memref_slice %arg11[%dma_start3A_301, %dma_start3A_310, %dma_start3A_311] : memref<3x192x128xf32, #tpu.memory_space<vmem>> -> memref<1x192x128xf32, #tpu.memory_space<vmem>>
      %dma_start3A_313 = tpu.memref_squeeze %dma_start3A_312 : memref<1x192x128xf32, #tpu.memory_space<vmem>> -> memref<192x128xf32, #tpu.memory_space<vmem>>
      tpu.enqueue_dma source(%dma_start3A_313 : memref<192x128xf32, #tpu.memory_space<vmem>>) target(%dma_start3A_309 : memref<192x128xf32, #tpu.memory_space<hbm>>) target_semaphore(%arg15 : memref<!tpu.dma_semaphore, #tpu.memory_space<semaphore_mem>>)
      %add3A_314 = arith.constant 2 : i32
      %add3A_315 = arith.addi %add3A_270, %add3A_314 : i32
      %lt3A_316 = arith.constant 120 : i32
      %lt3A_317 = arith.cmpi slt, %add3A_315, %lt3A_316 : i32
      %convert_element_type3A = arith.extui %lt3A_317 : i1 to i32
      %cond3A = arith.constant 0 : i32
      %cond3A_318 = arith.cmpi ne, %convert_element_type3A, %cond3A : i32
      scf.if %cond3A_318 {
        %ge3A = arith.constant 1 : i32
        %ge3A_427 = arith.cmpi sge, %add3A_270, %ge3A : i32
        %convert_element_type3A_428 = arith.extui %ge3A_427 : i1 to i32
        %cond3A_429 = arith.constant 0 : i32
        %cond3A_430 = arith.cmpi ne, %convert_element_type3A_428, %cond3A_429 : i32
        scf.if %cond3A_430 {
          %sub3A_511 = arith.constant 1 : i32
          %sub3A_512 = arith.subi %add3A_270, %sub3A_511 : i32
          %mul3A_513 = arith.constant 192 : i32
          %mul3A_514 = arith.muli %sub3A_512, %mul3A_513 : i32
          %multiple_of3A_515 = tpu.assume_multiple %mul3A_514, 192 : i32
          %add3A_516 = arith.addi %multiple_of3A, %multiple_of3A_515 : i32
          %dma_wait3A_517 = arith.constant 2 : i32
          %dma_wait3A_518 = arith.constant 0 : i32
          %dma_wait3A_519 = arith.constant 0 : i32
          %dma_wait3A_520 = tpu.memref_slice %arg11[%dma_wait3A_517, %dma_wait3A_518, %dma_wait3A_519] : memref<3x192x128xf32, #tpu.memory_space<vmem>> -> memref<1x192x128xf32, #tpu.memory_space<vmem>>
          %dma_wait3A_521 = tpu.memref_squeeze %dma_wait3A_520 : memref<1x192x128xf32, #tpu.memory_space<vmem>> -> memref<192x128xf32, #tpu.memory_space<vmem>>
          %dma_wait3A_522 = arith.constant 0 : i32
          %dma_wait3A_523 = tpu.memref_slice %arg5[%add3A_516, %dma_wait3A_522] : memref<737280x128xf32, #tpu.memory_space<hbm>> -> memref<192x128xf32, #tpu.memory_space<hbm>>
          %dma_wait3A_524 = arith.constant 0 : i32
          %dma_wait3A_525 = tpu.memref_slice %arg5[%add3A_516, %dma_wait3A_524] : memref<737280x128xf32, #tpu.memory_space<hbm>> -> memref<192x128xf32, #tpu.memory_space<hbm>>
          %dma_wait3A_526 = arith.constant 0 : i32
          %dma_wait3A_527 = arith.constant 0 : i32
          %dma_wait3A_528 = tpu.memref_slice %arg11[%dma_wait3A_517, %dma_wait3A_526, %dma_wait3A_527] : memref<3x192x128xf32, #tpu.memory_space<vmem>> -> memref<1x192x128xf32, #tpu.memory_space<vmem>>
          %dma_wait3A_529 = tpu.memref_squeeze %dma_wait3A_528 : memref<1x192x128xf32, #tpu.memory_space<vmem>> -> memref<192x128xf32, #tpu.memory_space<vmem>>
          tpu.wait_dma2 semaphore(%arg17 : memref<!tpu.dma_semaphore, #tpu.memory_space<semaphore_mem>>) src(%dma_wait3A_529 : memref<192x128xf32, #tpu.memory_space<vmem>>) dst(%dma_wait3A_525 : memref<192x128xf32, #tpu.memory_space<hbm>>)
        } else {
        }
        %add3A_431 = arith.constant 2 : i32
        %add3A_432 = arith.addi %add3A_270, %add3A_431 : i32
        %mul3A_433 = arith.constant 4 : i32
        %mul3A_434 = arith.muli %add3A_432, %mul3A_433 : i32
        %add3A_435 = arith.addi %mul3A_2, %mul3A_434 : i32
        %jit3A_436 = arith.constant 512 : i32
        %div3A_437 = arith.divsi %add3A_435, %jit3A_436 : i32
        %sign3A_438 = arith.constant 0 : i32
        %sign3A_439 = arith.cmpi sgt, %add3A_435, %sign3A_438 : i32
        %sign3A_440 = arith.extui %sign3A_439 : i1 to i32
        %sign3A_441 = arith.constant 0 : i32
        %sign3A_442 = arith.cmpi slt, %add3A_435, %sign3A_441 : i32
        %sign3A_443 = arith.extui %sign3A_442 : i1 to i32
        %sign3A_444 = arith.subi %sign3A_440, %sign3A_443 : i32
        %sign3A_445 = arith.constant 0 : i32
        %sign3A_446 = arith.cmpi sgt, %jit3A_436, %sign3A_445 : i32
        %sign3A_447 = arith.extui %sign3A_446 : i1 to i32
        %sign3A_448 = arith.constant 0 : i32
        %sign3A_449 = arith.cmpi slt, %jit3A_436, %sign3A_448 : i32
        %sign3A_450 = arith.extui %sign3A_449 : i1 to i32
        %sign3A_451 = arith.subi %sign3A_447, %sign3A_450 : i32
        %ne3A_452 = arith.cmpi ne, %sign3A_444, %sign3A_451 : i32
        %rem3A_453 = arith.remsi %add3A_435, %jit3A_436 : i32
        %ne3A_454 = arith.constant 0 : i32
        %ne3A_455 = arith.cmpi ne, %rem3A_453, %ne3A_454 : i32
        %and3A_456 = arith.andi %ne3A_452, %ne3A_455 : i1
        %sub3A_457 = arith.constant 1 : i32
        %sub3A_458 = arith.subi %div3A_437, %sub3A_457 : i32
        %select_n3A_459 = arith.select %and3A_456, %sub3A_458, %div3A_437 : i32
        %jit3A_460 = arith.constant 512 : i32
        %eq3A_461 = arith.constant 0 : i32
        %eq3A_462 = arith.cmpi eq, %jit3A_460, %eq3A_461 : i32
        %jit3A_463 = arith.constant 1 : i32
        %select_n3A_464 = arith.select %eq3A_462, %jit3A_463, %jit3A_460 : i32
        %rem3A_465 = arith.remsi %add3A_435, %select_n3A_464 : i32
        %ne3A_466 = arith.constant 0 : i32
        %ne3A_467 = arith.cmpi ne, %rem3A_465, %ne3A_466 : i32
        %lt3A_468 = arith.constant 0 : i32
        %lt3A_469 = arith.cmpi slt, %rem3A_465, %lt3A_468 : i32
        %lt3A_470 = arith.constant 0 : i32
        %lt3A_471 = arith.cmpi slt, %select_n3A_464, %lt3A_470 : i32
        %ne3A_472 = arith.xori %lt3A_469, %lt3A_471 : i1
        %and3A_473 = arith.andi %ne3A_472, %ne3A_467 : i1
        %add3A_474 = arith.addi %rem3A_465, %select_n3A_464 : i32
        %select_n3A_475 = arith.select %and3A_473, %add3A_474, %rem3A_465 : i32
        %sub3A_476 = arith.subi %select_n3A_459, %select_n3A : i32
        %scan3A_477 = arith.constant 0 : i32
        %scan3A_478 = arith.constant 0 : i32
        %scan3A_479 = arith.constant 12 : i32
        %scan3A_480 = arith.addi %scan3A_478, %scan3A_479 : i32
        %scan3A_481 = arith.constant 1 : i32
        scf.for %scan3A_511 = %scan3A_478 to %scan3A_480 step %scan3A_481  : i32 {
          %mul3A_512 = arith.constant 16 : i32
          %mul3A_513 = arith.muli %scan3A_511, %mul3A_512 : i32
          %multiple_of3A_514 = tpu.assume_multiple %mul3A_513, 16 : i32
          %jit3A_515 = arith.constant 48 : i32
          %div3A_516 = arith.divsi %multiple_of3A_514, %jit3A_515 : i32
          %sign3A_517 = arith.constant 0 : i32
          %sign3A_518 = arith.cmpi sgt, %multiple_of3A_514, %sign3A_517 : i32
          %sign3A_519 = arith.extui %sign3A_518 : i1 to i32
          %sign3A_520 = arith.constant 0 : i32
          %sign3A_521 = arith.cmpi slt, %multiple_of3A_514, %sign3A_520 : i32
          %sign3A_522 = arith.extui %sign3A_521 : i1 to i32
          %sign3A_523 = arith.subi %sign3A_519, %sign3A_522 : i32
          %sign3A_524 = arith.constant 0 : i32
          %sign3A_525 = arith.cmpi sgt, %jit3A_515, %sign3A_524 : i32
          %sign3A_526 = arith.extui %sign3A_525 : i1 to i32
          %sign3A_527 = arith.constant 0 : i32
          %sign3A_528 = arith.cmpi slt, %jit3A_515, %sign3A_527 : i32
          %sign3A_529 = arith.extui %sign3A_528 : i1 to i32
          %sign3A_530 = arith.subi %sign3A_526, %sign3A_529 : i32
          %ne3A_531 = arith.cmpi ne, %sign3A_523, %sign3A_530 : i32
          %rem3A_532 = arith.remsi %multiple_of3A_514, %jit3A_515 : i32
          %ne3A_533 = arith.constant 0 : i32
          %ne3A_534 = arith.cmpi ne, %rem3A_532, %ne3A_533 : i32
          %and3A_535 = arith.andi %ne3A_531, %ne3A_534 : i1
          %sub3A_536 = arith.constant 1 : i32
          %sub3A_537 = arith.subi %div3A_516, %sub3A_536 : i32
          %select_n3A_538 = arith.select %and3A_535, %sub3A_537, %div3A_516 : i32
          %add3A_539 = arith.addi %select_n3A_475, %select_n3A_538 : i32
          %jit3A_540 = arith.constant 48 : i32
          %eq3A_541 = arith.constant 0 : i32
          %eq3A_542 = arith.cmpi eq, %jit3A_540, %eq3A_541 : i32
          %jit3A_543 = arith.constant 1 : i32
          %select_n3A_544 = arith.select %eq3A_542, %jit3A_543, %jit3A_540 : i32
          %rem3A_545 = arith.remsi %multiple_of3A_514, %select_n3A_544 : i32
          %ne3A_546 = arith.constant 0 : i32
          %ne3A_547 = arith.cmpi ne, %rem3A_545, %ne3A_546 : i32
          %lt3A_548 = arith.constant 0 : i32
          %lt3A_549 = arith.cmpi slt, %rem3A_545, %lt3A_548 : i32
          %lt3A_550 = arith.constant 0 : i32
          %lt3A_551 = arith.cmpi slt, %select_n3A_544, %lt3A_550 : i32
          %ne3A_552 = arith.xori %lt3A_549, %lt3A_551 : i1
          %and3A_553 = arith.andi %ne3A_552, %ne3A_547 : i1
          %add3A_554 = arith.addi %rem3A_545, %select_n3A_544 : i32
          %select_n3A_555 = arith.select %and3A_553, %add3A_554, %rem3A_545 : i32
          %mul3A_556 = arith.constant 8 : i32
          %mul3A_557 = arith.muli %add3A_539, %mul3A_556 : i32
          %add3A_558 = vector.broadcast %mul3A_557 : i32 to vector<16xi32>
          %add3A_559 = arith.addi %add3A_558, %and3A_60 : vector<16xi32>
          %jit3A_560 = arith.constant 8 : i32
          %div3A_561 = arith.divsi %select_n3A_555, %jit3A_560 : i32
          %sign3A_562 = arith.constant 0 : i32
          %sign3A_563 = arith.cmpi sgt, %select_n3A_555, %sign3A_562 : i32
          %sign3A_564 = arith.extui %sign3A_563 : i1 to i32
          %sign3A_565 = arith.constant 0 : i32
          %sign3A_566 = arith.cmpi slt, %select_n3A_555, %sign3A_565 : i32
          %sign3A_567 = arith.extui %sign3A_566 : i1 to i32
          %sign3A_568 = arith.subi %sign3A_564, %sign3A_567 : i32
          %sign3A_569 = arith.constant 0 : i32
          %sign3A_570 = arith.cmpi sgt, %jit3A_560, %sign3A_569 : i32
          %sign3A_571 = arith.extui %sign3A_570 : i1 to i32
          %sign3A_572 = arith.constant 0 : i32
          %sign3A_573 = arith.cmpi slt, %jit3A_560, %sign3A_572 : i32
          %sign3A_574 = arith.extui %sign3A_573 : i1 to i32
          %sign3A_575 = arith.subi %sign3A_571, %sign3A_574 : i32
          %ne3A_576 = arith.cmpi ne, %sign3A_568, %sign3A_575 : i32
          %rem3A_577 = arith.remsi %select_n3A_555, %jit3A_560 : i32
          %ne3A_578 = arith.constant 0 : i32
          %ne3A_579 = arith.cmpi ne, %rem3A_577, %ne3A_578 : i32
          %and3A_580 = arith.andi %ne3A_576, %ne3A_579 : i1
          %sub3A_581 = arith.constant 1 : i32
          %sub3A_582 = arith.subi %div3A_561, %sub3A_581 : i32
          %select_n3A_583 = arith.select %and3A_580, %sub3A_582, %div3A_561 : i32
          %add3A_584 = vector.broadcast %select_n3A_583 : i32 to vector<16xi32>
          %add3A_585 = arith.addi %add3A_584, %shift_right_logical3A_62 : vector<16xi32>
          %broadcast_in_dim3A = vector.broadcast %sub3A_476 : i32 to vector<16xi32>
          %gather3A = tpu.vector_load_idx %arg6[%broadcast_in_dim3A, %add3A_559] : memref<2x4096xi32, #tpu.memory_space<vmem>>[vector<16xi32>, vector<16xi32>], vector<16xi32>,
          %gather3A_586 = tpu.vector_load_idx %arg7[%broadcast_in_dim3A, %add3A_559] : memref<2x4096xi32, #tpu.memory_space<vmem>>[vector<16xi32>, vector<16xi32>], vector<16xi32>,
          %mul3A_587 = arith.constant 2 : i32
          %mul3A_588 = vector.broadcast %mul3A_587 : i32 to vector<16xi32>
          %mul3A_589 = arith.muli %gather3A, %mul3A_588 : vector<16xi32>
          %add3A_590 = arith.addi %mul3A_589, %gather3A_586 : vector<16xi32>
          %mul3A_591 = arith.constant 30 : i32
          %mul3A_592 = vector.broadcast %mul3A_591 : i32 to vector<16xi32>
          %mul3A_593 = arith.muli %add3A_590, %mul3A_592 : vector<16xi32>
          %add3A_594 = vector.broadcast %select_n3A_459 : i32 to vector<16xi32>
          %add3A_595 = arith.addi %mul3A_593, %add3A_594 : vector<16xi32>
          %mul3A_596 = arith.constant 240 : i32
          %mul3A_597 = vector.broadcast %mul3A_596 : i32 to vector<16xi32>
          %mul3A_598 = arith.muli %add3A_585, %mul3A_597 : vector<16xi32>
          %add3A_599 = arith.addi %mul3A_598, %add3A_595 : vector<16xi32>
          %swap3A = arith.index_cast %multiple_of3A_514 : i32 to index
          %swap3A_600 = tpu.vector_load %arg10[%swap3A] {strides = array<i32>} : memref<192xi32, #tpu.memory_space<vmem>>, vector<16xi32>,
          tpu.vector_store %arg10[%swap3A], %add3A_599 {strides = array<i32>} : memref<192xi32, #tpu.memory_space<vmem>>, vector<16xi32>,
        }
        %scan3A_482 = arith.constant 12 : i32
        %add3A_483 = arith.constant 2 : i32
        %add3A_484 = arith.addi %add3A_270, %add3A_483 : i32
        %dma_start3A_485 = arith.constant 2 : i32
        %dma_start3A_486 = arith.constant 0 : i32
        %dma_start3A_487 = arith.constant 0 : i32
        %dma_start3A_488 = tpu.memref_slice %arg11[%dma_start3A_485, %dma_start3A_486, %dma_start3A_487] : memref<3x192x128xf32, #tpu.memory_space<vmem>> -> memref<1x192x128xf32, #tpu.memory_space<vmem>>
        %dma_start3A_489 = tpu.memref_squeeze %dma_start3A_488 : memref<1x192x128xf32, #tpu.memory_space<vmem>> -> memref<192x128xf32, #tpu.memory_space<vmem>>
        %dma_start3A_490 = arith.constant 0 : i32
        %dma_start3A_491 = arith.constant 0 : i32
        %dma_start3A_492 = tpu.memref_slice %dma_start3A_489[%dma_start3A_490, %dma_start3A_491] : memref<192x128xf32, #tpu.memory_space<vmem>> -> memref<128x128xf32, #tpu.memory_space<vmem>>
        %dma_start3A_493 = arith.constant 0 : i32
        %dma_start3A_494 = tpu.memref_slice %arg10[%dma_start3A_493] : memref<192xi32, #tpu.memory_space<vmem>> -> memref<128xi32, #tpu.memory_space<vmem>>
        %dma_start3A_495 = arith.constant 0 : i32
        %dma_start3A_496 = arith.constant 0 : i32
        %dma_start3A_497 = tpu.memref_slice %arg4[%dma_start3A_495, %dma_start3A_496] : memref<1440x128xf32, #tpu.memory_space<hbm>> -> memref<1440x128xf32, #tpu.memory_space<hbm>>
        tpu.enqueue_indirect_dma source(%dma_start3A_497 : memref<1440x128xf32, #tpu.memory_space<hbm>>) target(%dma_start3A_492 : memref<128x128xf32, #tpu.memory_space<vmem>>) offsets(%dma_start3A_494 : memref<128xi32, #tpu.memory_space<vmem>>) semaphore(%arg14 : memref<!tpu.dma_semaphore, #tpu.memory_space<semaphore_mem>>)
        %dma_start3A_498 = arith.constant 2 : i32
        %dma_start3A_499 = arith.constant 0 : i32
        %dma_start3A_500 = arith.constant 0 : i32
        %dma_start3A_501 = tpu.memref_slice %arg11[%dma_start3A_498, %dma_start3A_499, %dma_start3A_500] : memref<3x192x128xf32, #tpu.memory_space<vmem>> -> memref<1x192x128xf32, #tpu.memory_space<vmem>>
        %dma_start3A_502 = tpu.memref_squeeze %dma_start3A_501 : memref<1x192x128xf32, #tpu.memory_space<vmem>> -> memref<192x128xf32, #tpu.memory_space<vmem>>
        %dma_start3A_503 = arith.constant 128 : i32
        %dma_start3A_504 = arith.constant 0 : i32
        %dma_start3A_505 = tpu.memref_slice %dma_start3A_502[%dma_start3A_503, %dma_start3A_504] : memref<192x128xf32, #tpu.memory_space<vmem>> -> memref<64x128xf32, #tpu.memory_space<vmem>>
        %dma_start3A_506 = arith.constant 128 : i32
        %dma_start3A_507 = tpu.memref_slice %arg10[%dma_start3A_506] : memref<192xi32, #tpu.memory_space<vmem>> -> memref<64xi32, #tpu.memory_space<vmem>>
        %dma_start3A_508 = arith.constant 0 : i32
        %dma_start3A_509 = arith.constant 0 : i32
        %dma_start3A_510 = tpu.memref_slice %arg4[%dma_start3A_508, %dma_start3A_509] : memref<1440x128xf32, #tpu.memory_space<hbm>> -> memref<1440x128xf32, #tpu.memory_space<hbm>>
        tpu.enqueue_indirect_dma source(%dma_start3A_510 : memref<1440x128xf32, #tpu.memory_space<hbm>>) target(%dma_start3A_505 : memref<64x128xf32, #tpu.memory_space<vmem>>) offsets(%dma_start3A_507 : memref<64xi32, #tpu.memory_space<vmem>>) semaphore(%arg14 : memref<!tpu.dma_semaphore, #tpu.memory_space<semaphore_mem>>)
      } else {
      }
      %mul3A_319 = arith.constant 3 : i32
      %mul3A_320 = arith.muli %scan3A_266, %mul3A_319 : i32
      %add3A_321 = arith.constant 1 : i32
      %add3A_322 = arith.addi %mul3A_320, %add3A_321 : i32
      %dma_wait3A_323 = arith.constant 1 : i32
      %dma_wait3A_324 = arith.constant 0 : i32
      %dma_wait3A_325 = arith.constant 0 : i32
      %dma_wait3A_326 = tpu.memref_slice %arg11[%dma_wait3A_323, %dma_wait3A_324, %dma_wait3A_325] : memref<3x192x128xf32, #tpu.memory_space<vmem>> -> memref<1x192x128xf32, #tpu.memory_space<vmem>>
      %dma_wait3A_327 = tpu.memref_squeeze %dma_wait3A_326 : memref<1x192x128xf32, #tpu.memory_space<vmem>> -> memref<192x128xf32, #tpu.memory_space<vmem>>
      %dma_wait3A_328 = arith.constant 0 : i32
      %dma_wait3A_329 = arith.constant 0 : i32
      %dma_wait3A_330 = tpu.memref_slice %dma_wait3A_327[%dma_wait3A_328, %dma_wait3A_329] : memref<192x128xf32, #tpu.memory_space<vmem>> -> memref<128x128xf32, #tpu.memory_space<vmem>>
      %dma_wait3A_331 = arith.constant 0 : i32
      %dma_wait3A_332 = tpu.memref_slice %arg9[%dma_wait3A_331] : memref<192xi32, #tpu.memory_space<vmem>> -> memref<128xi32, #tpu.memory_space<vmem>>
      %dma_wait3A_333 = arith.constant 0 : i32
      %dma_wait3A_334 = arith.constant 0 : i32
      %dma_wait3A_335 = tpu.memref_slice %arg4[%dma_wait3A_333, %dma_wait3A_334] : memref<1440x128xf32, #tpu.memory_space<hbm>> -> memref<1440x128xf32, #tpu.memory_space<hbm>>
      tpu.wait_indirect_dma semaphore(%arg13 : memref<!tpu.dma_semaphore, #tpu.memory_space<semaphore_mem>>) src(%dma_wait3A_335 : memref<1440x128xf32, #tpu.memory_space<hbm>>) dst(%dma_wait3A_330 : memref<128x128xf32, #tpu.memory_space<vmem>>)
      %dma_wait3A_336 = arith.constant 1 : i32
      %dma_wait3A_337 = arith.constant 0 : i32
      %dma_wait3A_338 = arith.constant 0 : i32
      %dma_wait3A_339 = tpu.memref_slice %arg11[%dma_wait3A_336, %dma_wait3A_337, %dma_wait3A_338] : memref<3x192x128xf32, #tpu.memory_space<vmem>> -> memref<1x192x128xf32, #tpu.memory_space<vmem>>
      %dma_wait3A_340 = tpu.memref_squeeze %dma_wait3A_339 : memref<1x192x128xf32, #tpu.memory_space<vmem>> -> memref<192x128xf32, #tpu.memory_space<vmem>>
      %dma_wait3A_341 = arith.constant 128 : i32
      %dma_wait3A_342 = arith.constant 0 : i32
      %dma_wait3A_343 = tpu.memref_slice %dma_wait3A_340[%dma_wait3A_341, %dma_wait3A_342] : memref<192x128xf32, #tpu.memory_space<vmem>> -> memref<64x128xf32, #tpu.memory_space<vmem>>
      %dma_wait3A_344 = arith.constant 128 : i32
      %dma_wait3A_345 = tpu.memref_slice %arg9[%dma_wait3A_344] : memref<192xi32, #tpu.memory_space<vmem>> -> memref<64xi32, #tpu.memory_space<vmem>>
      %dma_wait3A_346 = arith.constant 0 : i32
      %dma_wait3A_347 = arith.constant 0 : i32
      %dma_wait3A_348 = tpu.memref_slice %arg4[%dma_wait3A_346, %dma_wait3A_347] : memref<1440x128xf32, #tpu.memory_space<hbm>> -> memref<1440x128xf32, #tpu.memory_space<hbm>>
      tpu.wait_indirect_dma semaphore(%arg13 : memref<!tpu.dma_semaphore, #tpu.memory_space<semaphore_mem>>) src(%dma_wait3A_348 : memref<1440x128xf32, #tpu.memory_space<hbm>>) dst(%dma_wait3A_343 : memref<64x128xf32, #tpu.memory_space<vmem>>)
      %mul3A_349 = arith.constant 192 : i32
      %mul3A_350 = arith.muli %add3A_322, %mul3A_349 : i32
      %multiple_of3A_351 = tpu.assume_multiple %mul3A_350, 192 : i32
      %add3A_352 = arith.addi %multiple_of3A, %multiple_of3A_351 : i32
      %dma_start3A_353 = arith.constant 1 : i32
      %dma_start3A_354 = arith.constant 0 : i32
      %dma_start3A_355 = arith.constant 0 : i32
      %dma_start3A_356 = tpu.memref_slice %arg11[%dma_start3A_353, %dma_start3A_354, %dma_start3A_355] : memref<3x192x128xf32, #tpu.memory_space<vmem>> -> memref<1x192x128xf32, #tpu.memory_space<vmem>>
      %dma_start3A_357 = tpu.memref_squeeze %dma_start3A_356 : memref<1x192x128xf32, #tpu.memory_space<vmem>> -> memref<192x128xf32, #tpu.memory_space<vmem>>
      %dma_start3A_358 = arith.constant 0 : i32
      %dma_start3A_359 = tpu.memref_slice %arg5[%add3A_352, %dma_start3A_358] : memref<737280x128xf32, #tpu.memory_space<hbm>> -> memref<192x128xf32, #tpu.memory_space<hbm>>
      %dma_start3A_360 = arith.constant 0 : i32
      %dma_start3A_361 = tpu.memref_slice %arg5[%add3A_352, %dma_start3A_360] : memref<737280x128xf32, #tpu.memory_space<hbm>> -> memref<192x128xf32, #tpu.memory_space<hbm>>
      %dma_start3A_362 = arith.constant 0 : i32
      %dma_start3A_363 = arith.constant 0 : i32
      %dma_start3A_364 = tpu.memref_slice %arg11[%dma_start3A_353, %dma_start3A_362, %dma_start3A_363] : memref<3x192x128xf32, #tpu.memory_space<vmem>> -> memref<1x192x128xf32, #tpu.memory_space<vmem>>
      %dma_start3A_365 = tpu.memref_squeeze %dma_start3A_364 : memref<1x192x128xf32, #tpu.memory_space<vmem>> -> memref<192x128xf32, #tpu.memory_space<vmem>>
      tpu.enqueue_dma source(%dma_start3A_365 : memref<192x128xf32, #tpu.memory_space<vmem>>) target(%dma_start3A_361 : memref<192x128xf32, #tpu.memory_space<hbm>>) target_semaphore(%arg16 : memref<!tpu.dma_semaphore, #tpu.memory_space<semaphore_mem>>)
      %add3A_366 = arith.constant 2 : i32
      %add3A_367 = arith.addi %add3A_322, %add3A_366 : i32
      %lt3A_368 = arith.constant 120 : i32
      %lt3A_369 = arith.cmpi slt, %add3A_367, %lt3A_368 : i32
      %convert_element_type3A_370 = arith.extui %lt3A_369 : i1 to i32
      %cond3A_371 = arith.constant 0 : i32
      %cond3A_372 = arith.cmpi ne, %convert_element_type3A_370, %cond3A_371 : i32
      scf.if %cond3A_372 {
        %ge3A = arith.constant 1 : i32
        %ge3A_427 = arith.cmpi sge, %add3A_322, %ge3A : i32
        %convert_element_type3A_428 = arith.extui %ge3A_427 : i1 to i32
        %cond3A_429 = arith.constant 0 : i32
        %cond3A_430 = arith.cmpi ne, %convert_element_type3A_428, %cond3A_429 : i32
        scf.if %cond3A_430 {
          %sub3A_511 = arith.constant 1 : i32
          %sub3A_512 = arith.subi %add3A_322, %sub3A_511 : i32
          %mul3A_513 = arith.constant 192 : i32
          %mul3A_514 = arith.muli %sub3A_512, %mul3A_513 : i32
          %multiple_of3A_515 = tpu.assume_multiple %mul3A_514, 192 : i32
          %add3A_516 = arith.addi %multiple_of3A, %multiple_of3A_515 : i32
          %dma_wait3A_517 = arith.constant 0 : i32
          %dma_wait3A_518 = arith.constant 0 : i32
          %dma_wait3A_519 = arith.constant 0 : i32
          %dma_wait3A_520 = tpu.memref_slice %arg11[%dma_wait3A_517, %dma_wait3A_518, %dma_wait3A_519] : memref<3x192x128xf32, #tpu.memory_space<vmem>> -> memref<1x192x128xf32, #tpu.memory_space<vmem>>
          %dma_wait3A_521 = tpu.memref_squeeze %dma_wait3A_520 : memref<1x192x128xf32, #tpu.memory_space<vmem>> -> memref<192x128xf32, #tpu.memory_space<vmem>>
          %dma_wait3A_522 = arith.constant 0 : i32
          %dma_wait3A_523 = tpu.memref_slice %arg5[%add3A_516, %dma_wait3A_522] : memref<737280x128xf32, #tpu.memory_space<hbm>> -> memref<192x128xf32, #tpu.memory_space<hbm>>
          %dma_wait3A_524 = arith.constant 0 : i32
          %dma_wait3A_525 = tpu.memref_slice %arg5[%add3A_516, %dma_wait3A_524] : memref<737280x128xf32, #tpu.memory_space<hbm>> -> memref<192x128xf32, #tpu.memory_space<hbm>>
          %dma_wait3A_526 = arith.constant 0 : i32
          %dma_wait3A_527 = arith.constant 0 : i32
          %dma_wait3A_528 = tpu.memref_slice %arg11[%dma_wait3A_517, %dma_wait3A_526, %dma_wait3A_527] : memref<3x192x128xf32, #tpu.memory_space<vmem>> -> memref<1x192x128xf32, #tpu.memory_space<vmem>>
          %dma_wait3A_529 = tpu.memref_squeeze %dma_wait3A_528 : memref<1x192x128xf32, #tpu.memory_space<vmem>> -> memref<192x128xf32, #tpu.memory_space<vmem>>
          tpu.wait_dma2 semaphore(%arg15 : memref<!tpu.dma_semaphore, #tpu.memory_space<semaphore_mem>>) src(%dma_wait3A_529 : memref<192x128xf32, #tpu.memory_space<vmem>>) dst(%dma_wait3A_525 : memref<192x128xf32, #tpu.memory_space<hbm>>)
        } else {
        }
        %add3A_431 = arith.constant 2 : i32
        %add3A_432 = arith.addi %add3A_322, %add3A_431 : i32
        %mul3A_433 = arith.constant 4 : i32
        %mul3A_434 = arith.muli %add3A_432, %mul3A_433 : i32
        %add3A_435 = arith.addi %mul3A_2, %mul3A_434 : i32
        %jit3A_436 = arith.constant 512 : i32
        %div3A_437 = arith.divsi %add3A_435, %jit3A_436 : i32
        %sign3A_438 = arith.constant 0 : i32
        %sign3A_439 = arith.cmpi sgt, %add3A_435, %sign3A_438 : i32
        %sign3A_440 = arith.extui %sign3A_439 : i1 to i32
        %sign3A_441 = arith.constant 0 : i32
        %sign3A_442 = arith.cmpi slt, %add3A_435, %sign3A_441 : i32
        %sign3A_443 = arith.extui %sign3A_442 : i1 to i32
        %sign3A_444 = arith.subi %sign3A_440, %sign3A_443 : i32
        %sign3A_445 = arith.constant 0 : i32
        %sign3A_446 = arith.cmpi sgt, %jit3A_436, %sign3A_445 : i32
        %sign3A_447 = arith.extui %sign3A_446 : i1 to i32
        %sign3A_448 = arith.constant 0 : i32
        %sign3A_449 = arith.cmpi slt, %jit3A_436, %sign3A_448 : i32
        %sign3A_450 = arith.extui %sign3A_449 : i1 to i32
        %sign3A_451 = arith.subi %sign3A_447, %sign3A_450 : i32
        %ne3A_452 = arith.cmpi ne, %sign3A_444, %sign3A_451 : i32
        %rem3A_453 = arith.remsi %add3A_435, %jit3A_436 : i32
        %ne3A_454 = arith.constant 0 : i32
        %ne3A_455 = arith.cmpi ne, %rem3A_453, %ne3A_454 : i32
        %and3A_456 = arith.andi %ne3A_452, %ne3A_455 : i1
        %sub3A_457 = arith.constant 1 : i32
        %sub3A_458 = arith.subi %div3A_437, %sub3A_457 : i32
        %select_n3A_459 = arith.select %and3A_456, %sub3A_458, %div3A_437 : i32
        %jit3A_460 = arith.constant 512 : i32
        %eq3A_461 = arith.constant 0 : i32
        %eq3A_462 = arith.cmpi eq, %jit3A_460, %eq3A_461 : i32
        %jit3A_463 = arith.constant 1 : i32
        %select_n3A_464 = arith.select %eq3A_462, %jit3A_463, %jit3A_460 : i32
        %rem3A_465 = arith.remsi %add3A_435, %select_n3A_464 : i32
        %ne3A_466 = arith.constant 0 : i32
        %ne3A_467 = arith.cmpi ne, %rem3A_465, %ne3A_466 : i32
        %lt3A_468 = arith.constant 0 : i32
        %lt3A_469 = arith.cmpi slt, %rem3A_465, %lt3A_468 : i32
        %lt3A_470 = arith.constant 0 : i32
        %lt3A_471 = arith.cmpi slt, %select_n3A_464, %lt3A_470 : i32
        %ne3A_472 = arith.xori %lt3A_469, %lt3A_471 : i1
        %and3A_473 = arith.andi %ne3A_472, %ne3A_467 : i1
        %add3A_474 = arith.addi %rem3A_465, %select_n3A_464 : i32
        %select_n3A_475 = arith.select %and3A_473, %add3A_474, %rem3A_465 : i32
        %sub3A_476 = arith.subi %select_n3A_459, %select_n3A : i32
        %scan3A_477 = arith.constant 0 : i32
        %scan3A_478 = arith.constant 0 : i32
        %scan3A_479 = arith.constant 12 : i32
        %scan3A_480 = arith.addi %scan3A_478, %scan3A_479 : i32
        %scan3A_481 = arith.constant 1 : i32
        scf.for %scan3A_511 = %scan3A_478 to %scan3A_480 step %scan3A_481  : i32 {
          %mul3A_512 = arith.constant 16 : i32
          %mul3A_513 = arith.muli %scan3A_511, %mul3A_512 : i32
          %multiple_of3A_514 = tpu.assume_multiple %mul3A_513, 16 : i32
          %jit3A_515 = arith.constant 48 : i32
          %div3A_516 = arith.divsi %multiple_of3A_514, %jit3A_515 : i32
          %sign3A_517 = arith.constant 0 : i32
          %sign3A_518 = arith.cmpi sgt, %multiple_of3A_514, %sign3A_517 : i32
          %sign3A_519 = arith.extui %sign3A_518 : i1 to i32
          %sign3A_520 = arith.constant 0 : i32
          %sign3A_521 = arith.cmpi slt, %multiple_of3A_514, %sign3A_520 : i32
          %sign3A_522 = arith.extui %sign3A_521 : i1 to i32
          %sign3A_523 = arith.subi %sign3A_519, %sign3A_522 : i32
          %sign3A_524 = arith.constant 0 : i32
          %sign3A_525 = arith.cmpi sgt, %jit3A_515, %sign3A_524 : i32
          %sign3A_526 = arith.extui %sign3A_525 : i1 to i32
          %sign3A_527 = arith.constant 0 : i32
          %sign3A_528 = arith.cmpi slt, %jit3A_515, %sign3A_527 : i32
          %sign3A_529 = arith.extui %sign3A_528 : i1 to i32
          %sign3A_530 = arith.subi %sign3A_526, %sign3A_529 : i32
          %ne3A_531 = arith.cmpi ne, %sign3A_523, %sign3A_530 : i32
          %rem3A_532 = arith.remsi %multiple_of3A_514, %jit3A_515 : i32
          %ne3A_533 = arith.constant 0 : i32
          %ne3A_534 = arith.cmpi ne, %rem3A_532, %ne3A_533 : i32
          %and3A_535 = arith.andi %ne3A_531, %ne3A_534 : i1
          %sub3A_536 = arith.constant 1 : i32
          %sub3A_537 = arith.subi %div3A_516, %sub3A_536 : i32
          %select_n3A_538 = arith.select %and3A_535, %sub3A_537, %div3A_516 : i32
          %add3A_539 = arith.addi %select_n3A_475, %select_n3A_538 : i32
          %jit3A_540 = arith.constant 48 : i32
          %eq3A_541 = arith.constant 0 : i32
          %eq3A_542 = arith.cmpi eq, %jit3A_540, %eq3A_541 : i32
          %jit3A_543 = arith.constant 1 : i32
          %select_n3A_544 = arith.select %eq3A_542, %jit3A_543, %jit3A_540 : i32
          %rem3A_545 = arith.remsi %multiple_of3A_514, %select_n3A_544 : i32
          %ne3A_546 = arith.constant 0 : i32
          %ne3A_547 = arith.cmpi ne, %rem3A_545, %ne3A_546 : i32
          %lt3A_548 = arith.constant 0 : i32
          %lt3A_549 = arith.cmpi slt, %rem3A_545, %lt3A_548 : i32
          %lt3A_550 = arith.constant 0 : i32
          %lt3A_551 = arith.cmpi slt, %select_n3A_544, %lt3A_550 : i32
          %ne3A_552 = arith.xori %lt3A_549, %lt3A_551 : i1
          %and3A_553 = arith.andi %ne3A_552, %ne3A_547 : i1
          %add3A_554 = arith.addi %rem3A_545, %select_n3A_544 : i32
          %select_n3A_555 = arith.select %and3A_553, %add3A_554, %rem3A_545 : i32
          %mul3A_556 = arith.constant 8 : i32
          %mul3A_557 = arith.muli %add3A_539, %mul3A_556 : i32
          %add3A_558 = vector.broadcast %mul3A_557 : i32 to vector<16xi32>
          %add3A_559 = arith.addi %add3A_558, %and3A_60 : vector<16xi32>
          %jit3A_560 = arith.constant 8 : i32
          %div3A_561 = arith.divsi %select_n3A_555, %jit3A_560 : i32
          %sign3A_562 = arith.constant 0 : i32
          %sign3A_563 = arith.cmpi sgt, %select_n3A_555, %sign3A_562 : i32
          %sign3A_564 = arith.extui %sign3A_563 : i1 to i32
          %sign3A_565 = arith.constant 0 : i32
          %sign3A_566 = arith.cmpi slt, %select_n3A_555, %sign3A_565 : i32
          %sign3A_567 = arith.extui %sign3A_566 : i1 to i32
          %sign3A_568 = arith.subi %sign3A_564, %sign3A_567 : i32
          %sign3A_569 = arith.constant 0 : i32
          %sign3A_570 = arith.cmpi sgt, %jit3A_560, %sign3A_569 : i32
          %sign3A_571 = arith.extui %sign3A_570 : i1 to i32
          %sign3A_572 = arith.constant 0 : i32
          %sign3A_573 = arith.cmpi slt, %jit3A_560, %sign3A_572 : i32
          %sign3A_574 = arith.extui %sign3A_573 : i1 to i32
          %sign3A_575 = arith.subi %sign3A_571, %sign3A_574 : i32
          %ne3A_576 = arith.cmpi ne, %sign3A_568, %sign3A_575 : i32
          %rem3A_577 = arith.remsi %select_n3A_555, %jit3A_560 : i32
          %ne3A_578 = arith.constant 0 : i32
          %ne3A_579 = arith.cmpi ne, %rem3A_577, %ne3A_578 : i32
          %and3A_580 = arith.andi %ne3A_576, %ne3A_579 : i1
          %sub3A_581 = arith.constant 1 : i32
          %sub3A_582 = arith.subi %div3A_561, %sub3A_581 : i32
          %select_n3A_583 = arith.select %and3A_580, %sub3A_582, %div3A_561 : i32
          %add3A_584 = vector.broadcast %select_n3A_583 : i32 to vector<16xi32>
          %add3A_585 = arith.addi %add3A_584, %shift_right_logical3A_62 : vector<16xi32>
          %broadcast_in_dim3A = vector.broadcast %sub3A_476 : i32 to vector<16xi32>
          %gather3A = tpu.vector_load_idx %arg6[%broadcast_in_dim3A, %add3A_559] : memref<2x4096xi32, #tpu.memory_space<vmem>>[vector<16xi32>, vector<16xi32>], vector<16xi32>,
          %gather3A_586 = tpu.vector_load_idx %arg7[%broadcast_in_dim3A, %add3A_559] : memref<2x4096xi32, #tpu.memory_space<vmem>>[vector<16xi32>, vector<16xi32>], vector<16xi32>,
          %mul3A_587 = arith.constant 2 : i32
          %mul3A_588 = vector.broadcast %mul3A_587 : i32 to vector<16xi32>
          %mul3A_589 = arith.muli %gather3A, %mul3A_588 : vector<16xi32>
          %add3A_590 = arith.addi %mul3A_589, %gather3A_586 : vector<16xi32>
          %mul3A_591 = arith.constant 30 : i32
          %mul3A_592 = vector.broadcast %mul3A_591 : i32 to vector<16xi32>
          %mul3A_593 = arith.muli %add3A_590, %mul3A_592 : vector<16xi32>
          %add3A_594 = vector.broadcast %select_n3A_459 : i32 to vector<16xi32>
          %add3A_595 = arith.addi %mul3A_593, %add3A_594 : vector<16xi32>
          %mul3A_596 = arith.constant 240 : i32
          %mul3A_597 = vector.broadcast %mul3A_596 : i32 to vector<16xi32>
          %mul3A_598 = arith.muli %add3A_585, %mul3A_597 : vector<16xi32>
          %add3A_599 = arith.addi %mul3A_598, %add3A_595 : vector<16xi32>
          %swap3A = arith.index_cast %multiple_of3A_514 : i32 to index
          %swap3A_600 = tpu.vector_load %arg8[%swap3A] {strides = array<i32>} : memref<192xi32, #tpu.memory_space<vmem>>, vector<16xi32>,
          tpu.vector_store %arg8[%swap3A], %add3A_599 {strides = array<i32>} : memref<192xi32, #tpu.memory_space<vmem>>, vector<16xi32>,
        }
        %scan3A_482 = arith.constant 12 : i32
        %add3A_483 = arith.constant 2 : i32
        %add3A_484 = arith.addi %add3A_322, %add3A_483 : i32
        %dma_start3A_485 = arith.constant 0 : i32
        %dma_start3A_486 = arith.constant 0 : i32
        %dma_start3A_487 = arith.constant 0 : i32
        %dma_start3A_488 = tpu.memref_slice %arg11[%dma_start3A_485, %dma_start3A_486, %dma_start3A_487] : memref<3x192x128xf32, #tpu.memory_space<vmem>> -> memref<1x192x128xf32, #tpu.memory_space<vmem>>
        %dma_start3A_489 = tpu.memref_squeeze %dma_start3A_488 : memref<1x192x128xf32, #tpu.memory_space<vmem>> -> memref<192x128xf32, #tpu.memory_space<vmem>>
        %dma_start3A_490 = arith.constant 0 : i32
        %dma_start3A_491 = arith.constant 0 : i32
        %dma_start3A_492 = tpu.memref_slice %dma_start3A_489[%dma_start3A_490, %dma_start3A_491] : memref<192x128xf32, #tpu.memory_space<vmem>> -> memref<128x128xf32, #tpu.memory_space<vmem>>
        %dma_start3A_493 = arith.constant 0 : i32
        %dma_start3A_494 = tpu.memref_slice %arg8[%dma_start3A_493] : memref<192xi32, #tpu.memory_space<vmem>> -> memref<128xi32, #tpu.memory_space<vmem>>
        %dma_start3A_495 = arith.constant 0 : i32
        %dma_start3A_496 = arith.constant 0 : i32
        %dma_start3A_497 = tpu.memref_slice %arg4[%dma_start3A_495, %dma_start3A_496] : memref<1440x128xf32, #tpu.memory_space<hbm>> -> memref<1440x128xf32, #tpu.memory_space<hbm>>
        tpu.enqueue_indirect_dma source(%dma_start3A_497 : memref<1440x128xf32, #tpu.memory_space<hbm>>) target(%dma_start3A_492 : memref<128x128xf32, #tpu.memory_space<vmem>>) offsets(%dma_start3A_494 : memref<128xi32, #tpu.memory_space<vmem>>) semaphore(%arg12 : memref<!tpu.dma_semaphore, #tpu.memory_space<semaphore_mem>>)
        %dma_start3A_498 = arith.constant 0 : i32
        %dma_start3A_499 = arith.constant 0 : i32
        %dma_start3A_500 = arith.constant 0 : i32
        %dma_start3A_501 = tpu.memref_slice %arg11[%dma_start3A_498, %dma_start3A_499, %dma_start3A_500] : memref<3x192x128xf32, #tpu.memory_space<vmem>> -> memref<1x192x128xf32, #tpu.memory_space<vmem>>
        %dma_start3A_502 = tpu.memref_squeeze %dma_start3A_501 : memref<1x192x128xf32, #tpu.memory_space<vmem>> -> memref<192x128xf32, #tpu.memory_space<vmem>>
        %dma_start3A_503 = arith.constant 128 : i32
        %dma_start3A_504 = arith.constant 0 : i32
        %dma_start3A_505 = tpu.memref_slice %dma_start3A_502[%dma_start3A_503, %dma_start3A_504] : memref<192x128xf32, #tpu.memory_space<vmem>> -> memref<64x128xf32, #tpu.memory_space<vmem>>
        %dma_start3A_506 = arith.constant 128 : i32
        %dma_start3A_507 = tpu.memref_slice %arg8[%dma_start3A_506] : memref<192xi32, #tpu.memory_space<vmem>> -> memref<64xi32, #tpu.memory_space<vmem>>
        %dma_start3A_508 = arith.constant 0 : i32
        %dma_start3A_509 = arith.constant 0 : i32
        %dma_start3A_510 = tpu.memref_slice %arg4[%dma_start3A_508, %dma_start3A_509] : memref<1440x128xf32, #tpu.memory_space<hbm>> -> memref<1440x128xf32, #tpu.memory_space<hbm>>
        tpu.enqueue_indirect_dma source(%dma_start3A_510 : memref<1440x128xf32, #tpu.memory_space<hbm>>) target(%dma_start3A_505 : memref<64x128xf32, #tpu.memory_space<vmem>>) offsets(%dma_start3A_507 : memref<64xi32, #tpu.memory_space<vmem>>) semaphore(%arg12 : memref<!tpu.dma_semaphore, #tpu.memory_space<semaphore_mem>>)
      } else {
      }
      %mul3A_373 = arith.constant 3 : i32
      %mul3A_374 = arith.muli %scan3A_266, %mul3A_373 : i32
      %add3A_375 = arith.constant 2 : i32
      %add3A_376 = arith.addi %mul3A_374, %add3A_375 : i32
      %dma_wait3A_377 = arith.constant 2 : i32
      %dma_wait3A_378 = arith.constant 0 : i32
      %dma_wait3A_379 = arith.constant 0 : i32
      %dma_wait3A_380 = tpu.memref_slice %arg11[%dma_wait3A_377, %dma_wait3A_378, %dma_wait3A_379] : memref<3x192x128xf32, #tpu.memory_space<vmem>> -> memref<1x192x128xf32, #tpu.memory_space<vmem>>
      %dma_wait3A_381 = tpu.memref_squeeze %dma_wait3A_380 : memref<1x192x128xf32, #tpu.memory_space<vmem>> -> memref<192x128xf32, #tpu.memory_space<vmem>>
      %dma_wait3A_382 = arith.constant 0 : i32
      %dma_wait3A_383 = arith.constant 0 : i32
      %dma_wait3A_384 = tpu.memref_slice %dma_wait3A_381[%dma_wait3A_382, %dma_wait3A_383] : memref<192x128xf32, #tpu.memory_space<vmem>> -> memref<128x128xf32, #tpu.memory_space<vmem>>
      %dma_wait3A_385 = arith.constant 0 : i32
      %dma_wait3A_386 = tpu.memref_slice %arg10[%dma_wait3A_385] : memref<192xi32, #tpu.memory_space<vmem>> -> memref<128xi32, #tpu.memory_space<vmem>>
      %dma_wait3A_387 = arith.constant 0 : i32
      %dma_wait3A_388 = arith.constant 0 : i32
      %dma_wait3A_389 = tpu.memref_slice %arg4[%dma_wait3A_387, %dma_wait3A_388] : memref<1440x128xf32, #tpu.memory_space<hbm>> -> memref<1440x128xf32, #tpu.memory_space<hbm>>
      tpu.wait_indirect_dma semaphore(%arg14 : memref<!tpu.dma_semaphore, #tpu.memory_space<semaphore_mem>>) src(%dma_wait3A_389 : memref<1440x128xf32, #tpu.memory_space<hbm>>) dst(%dma_wait3A_384 : memref<128x128xf32, #tpu.memory_space<vmem>>)
      %dma_wait3A_390 = arith.constant 2 : i32
      %dma_wait3A_391 = arith.constant 0 : i32
      %dma_wait3A_392 = arith.constant 0 : i32
      %dma_wait3A_393 = tpu.memref_slice %arg11[%dma_wait3A_390, %dma_wait3A_391, %dma_wait3A_392] : memref<3x192x128xf32, #tpu.memory_space<vmem>> -> memref<1x192x128xf32, #tpu.memory_space<vmem>>
      %dma_wait3A_394 = tpu.memref_squeeze %dma_wait3A_393 : memref<1x192x128xf32, #tpu.memory_space<vmem>> -> memref<192x128xf32, #tpu.memory_space<vmem>>
      %dma_wait3A_395 = arith.constant 128 : i32
      %dma_wait3A_396 = arith.constant 0 : i32
      %dma_wait3A_397 = tpu.memref_slice %dma_wait3A_394[%dma_wait3A_395, %dma_wait3A_396] : memref<192x128xf32, #tpu.memory_space<vmem>> -> memref<64x128xf32, #tpu.memory_space<vmem>>
      %dma_wait3A_398 = arith.constant 128 : i32
      %dma_wait3A_399 = tpu.memref_slice %arg10[%dma_wait3A_398] : memref<192xi32, #tpu.memory_space<vmem>> -> memref<64xi32, #tpu.memory_space<vmem>>
      %dma_wait3A_400 = arith.constant 0 : i32
      %dma_wait3A_401 = arith.constant 0 : i32
      %dma_wait3A_402 = tpu.memref_slice %arg4[%dma_wait3A_400, %dma_wait3A_401] : memref<1440x128xf32, #tpu.memory_space<hbm>> -> memref<1440x128xf32, #tpu.memory_space<hbm>>
      tpu.wait_indirect_dma semaphore(%arg14 : memref<!tpu.dma_semaphore, #tpu.memory_space<semaphore_mem>>) src(%dma_wait3A_402 : memref<1440x128xf32, #tpu.memory_space<hbm>>) dst(%dma_wait3A_397 : memref<64x128xf32, #tpu.memory_space<vmem>>)
      %mul3A_403 = arith.constant 192 : i32
      %mul3A_404 = arith.muli %add3A_376, %mul3A_403 : i32
      %multiple_of3A_405 = tpu.assume_multiple %mul3A_404, 192 : i32
      %add3A_406 = arith.addi %multiple_of3A, %multiple_of3A_405 : i32
      %dma_start3A_407 = arith.constant 2 : i32
      %dma_start3A_408 = arith.constant 0 : i32
      %dma_start3A_409 = arith.constant 0 : i32
      %dma_start3A_410 = tpu.memref_slice %arg11[%dma_start3A_407, %dma_start3A_408, %dma_start3A_409] : memref<3x192x128xf32, #tpu.memory_space<vmem>> -> memref<1x192x128xf32, #tpu.memory_space<vmem>>
      %dma_start3A_411 = tpu.memref_squeeze %dma_start3A_410 : memref<1x192x128xf32, #tpu.memory_space<vmem>> -> memref<192x128xf32, #tpu.memory_space<vmem>>
      %dma_start3A_412 = arith.constant 0 : i32
      %dma_start3A_413 = tpu.memref_slice %arg5[%add3A_406, %dma_start3A_412] : memref<737280x128xf32, #tpu.memory_space<hbm>> -> memref<192x128xf32, #tpu.memory_space<hbm>>
      %dma_start3A_414 = arith.constant 0 : i32
      %dma_start3A_415 = tpu.memref_slice %arg5[%add3A_406, %dma_start3A_414] : memref<737280x128xf32, #tpu.memory_space<hbm>> -> memref<192x128xf32, #tpu.memory_space<hbm>>
      %dma_start3A_416 = arith.constant 0 : i32
      %dma_start3A_417 = arith.constant 0 : i32
      %dma_start3A_418 = tpu.memref_slice %arg11[%dma_start3A_407, %dma_start3A_416, %dma_start3A_417] : memref<3x192x128xf32, #tpu.memory_space<vmem>> -> memref<1x192x128xf32, #tpu.memory_space<vmem>>
      %dma_start3A_419 = tpu.memref_squeeze %dma_start3A_418 : memref<1x192x128xf32, #tpu.memory_space<vmem>> -> memref<192x128xf32, #tpu.memory_space<vmem>>
      tpu.enqueue_dma source(%dma_start3A_419 : memref<192x128xf32, #tpu.memory_space<vmem>>) target(%dma_start3A_415 : memref<192x128xf32, #tpu.memory_space<hbm>>) target_semaphore(%arg17 : memref<!tpu.dma_semaphore, #tpu.memory_space<semaphore_mem>>)
      %add3A_420 = arith.constant 2 : i32
      %add3A_421 = arith.addi %add3A_376, %add3A_420 : i32
      %lt3A_422 = arith.constant 120 : i32
      %lt3A_423 = arith.cmpi slt, %add3A_421, %lt3A_422 : i32
      %convert_element_type3A_424 = arith.extui %lt3A_423 : i1 to i32
      %cond3A_425 = arith.constant 0 : i32
      %cond3A_426 = arith.cmpi ne, %convert_element_type3A_424, %cond3A_425 : i32
      scf.if %cond3A_426 {
        %ge3A = arith.constant 1 : i32
        %ge3A_427 = arith.cmpi sge, %add3A_376, %ge3A : i32
        %convert_element_type3A_428 = arith.extui %ge3A_427 : i1 to i32
        %cond3A_429 = arith.constant 0 : i32
        %cond3A_430 = arith.cmpi ne, %convert_element_type3A_428, %cond3A_429 : i32
        scf.if %cond3A_430 {
          %sub3A_511 = arith.constant 1 : i32
          %sub3A_512 = arith.subi %add3A_376, %sub3A_511 : i32
          %mul3A_513 = arith.constant 192 : i32
          %mul3A_514 = arith.muli %sub3A_512, %mul3A_513 : i32
          %multiple_of3A_515 = tpu.assume_multiple %mul3A_514, 192 : i32
          %add3A_516 = arith.addi %multiple_of3A, %multiple_of3A_515 : i32
          %dma_wait3A_517 = arith.constant 1 : i32
          %dma_wait3A_518 = arith.constant 0 : i32
          %dma_wait3A_519 = arith.constant 0 : i32
          %dma_wait3A_520 = tpu.memref_slice %arg11[%dma_wait3A_517, %dma_wait3A_518, %dma_wait3A_519] : memref<3x192x128xf32, #tpu.memory_space<vmem>> -> memref<1x192x128xf32, #tpu.memory_space<vmem>>
          %dma_wait3A_521 = tpu.memref_squeeze %dma_wait3A_520 : memref<1x192x128xf32, #tpu.memory_space<vmem>> -> memref<192x128xf32, #tpu.memory_space<vmem>>
          %dma_wait3A_522 = arith.constant 0 : i32
          %dma_wait3A_523 = tpu.memref_slice %arg5[%add3A_516, %dma_wait3A_522] : memref<737280x128xf32, #tpu.memory_space<hbm>> -> memref<192x128xf32, #tpu.memory_space<hbm>>
          %dma_wait3A_524 = arith.constant 0 : i32
          %dma_wait3A_525 = tpu.memref_slice %arg5[%add3A_516, %dma_wait3A_524] : memref<737280x128xf32, #tpu.memory_space<hbm>> -> memref<192x128xf32, #tpu.memory_space<hbm>>
          %dma_wait3A_526 = arith.constant 0 : i32
          %dma_wait3A_527 = arith.constant 0 : i32
          %dma_wait3A_528 = tpu.memref_slice %arg11[%dma_wait3A_517, %dma_wait3A_526, %dma_wait3A_527] : memref<3x192x128xf32, #tpu.memory_space<vmem>> -> memref<1x192x128xf32, #tpu.memory_space<vmem>>
          %dma_wait3A_529 = tpu.memref_squeeze %dma_wait3A_528 : memref<1x192x128xf32, #tpu.memory_space<vmem>> -> memref<192x128xf32, #tpu.memory_space<vmem>>
          tpu.wait_dma2 semaphore(%arg16 : memref<!tpu.dma_semaphore, #tpu.memory_space<semaphore_mem>>) src(%dma_wait3A_529 : memref<192x128xf32, #tpu.memory_space<vmem>>) dst(%dma_wait3A_525 : memref<192x128xf32, #tpu.memory_space<hbm>>)
        } else {
        }
        %add3A_431 = arith.constant 2 : i32
        %add3A_432 = arith.addi %add3A_376, %add3A_431 : i32
        %mul3A_433 = arith.constant 4 : i32
        %mul3A_434 = arith.muli %add3A_432, %mul3A_433 : i32
        %add3A_435 = arith.addi %mul3A_2, %mul3A_434 : i32
        %jit3A_436 = arith.constant 512 : i32
        %div3A_437 = arith.divsi %add3A_435, %jit3A_436 : i32
        %sign3A_438 = arith.constant 0 : i32
        %sign3A_439 = arith.cmpi sgt, %add3A_435, %sign3A_438 : i32
        %sign3A_440 = arith.extui %sign3A_439 : i1 to i32
        %sign3A_441 = arith.constant 0 : i32
        %sign3A_442 = arith.cmpi slt, %add3A_435, %sign3A_441 : i32
        %sign3A_443 = arith.extui %sign3A_442 : i1 to i32
        %sign3A_444 = arith.subi %sign3A_440, %sign3A_443 : i32
        %sign3A_445 = arith.constant 0 : i32
        %sign3A_446 = arith.cmpi sgt, %jit3A_436, %sign3A_445 : i32
        %sign3A_447 = arith.extui %sign3A_446 : i1 to i32
        %sign3A_448 = arith.constant 0 : i32
        %sign3A_449 = arith.cmpi slt, %jit3A_436, %sign3A_448 : i32
        %sign3A_450 = arith.extui %sign3A_449 : i1 to i32
        %sign3A_451 = arith.subi %sign3A_447, %sign3A_450 : i32
        %ne3A_452 = arith.cmpi ne, %sign3A_444, %sign3A_451 : i32
        %rem3A_453 = arith.remsi %add3A_435, %jit3A_436 : i32
        %ne3A_454 = arith.constant 0 : i32
        %ne3A_455 = arith.cmpi ne, %rem3A_453, %ne3A_454 : i32
        %and3A_456 = arith.andi %ne3A_452, %ne3A_455 : i1
        %sub3A_457 = arith.constant 1 : i32
        %sub3A_458 = arith.subi %div3A_437, %sub3A_457 : i32
        %select_n3A_459 = arith.select %and3A_456, %sub3A_458, %div3A_437 : i32
        %jit3A_460 = arith.constant 512 : i32
        %eq3A_461 = arith.constant 0 : i32
        %eq3A_462 = arith.cmpi eq, %jit3A_460, %eq3A_461 : i32
        %jit3A_463 = arith.constant 1 : i32
        %select_n3A_464 = arith.select %eq3A_462, %jit3A_463, %jit3A_460 : i32
        %rem3A_465 = arith.remsi %add3A_435, %select_n3A_464 : i32
        %ne3A_466 = arith.constant 0 : i32
        %ne3A_467 = arith.cmpi ne, %rem3A_465, %ne3A_466 : i32
        %lt3A_468 = arith.constant 0 : i32
        %lt3A_469 = arith.cmpi slt, %rem3A_465, %lt3A_468 : i32
        %lt3A_470 = arith.constant 0 : i32
        %lt3A_471 = arith.cmpi slt, %select_n3A_464, %lt3A_470 : i32
        %ne3A_472 = arith.xori %lt3A_469, %lt3A_471 : i1
        %and3A_473 = arith.andi %ne3A_472, %ne3A_467 : i1
        %add3A_474 = arith.addi %rem3A_465, %select_n3A_464 : i32
        %select_n3A_475 = arith.select %and3A_473, %add3A_474, %rem3A_465 : i32
        %sub3A_476 = arith.subi %select_n3A_459, %select_n3A : i32
        %scan3A_477 = arith.constant 0 : i32
        %scan3A_478 = arith.constant 0 : i32
        %scan3A_479 = arith.constant 12 : i32
        %scan3A_480 = arith.addi %scan3A_478, %scan3A_479 : i32
        %scan3A_481 = arith.constant 1 : i32
        scf.for %scan3A_511 = %scan3A_478 to %scan3A_480 step %scan3A_481  : i32 {
          %mul3A_512 = arith.constant 16 : i32
          %mul3A_513 = arith.muli %scan3A_511, %mul3A_512 : i32
          %multiple_of3A_514 = tpu.assume_multiple %mul3A_513, 16 : i32
          %jit3A_515 = arith.constant 48 : i32
          %div3A_516 = arith.divsi %multiple_of3A_514, %jit3A_515 : i32
          %sign3A_517 = arith.constant 0 : i32
          %sign3A_518 = arith.cmpi sgt, %multiple_of3A_514, %sign3A_517 : i32
          %sign3A_519 = arith.extui %sign3A_518 : i1 to i32
          %sign3A_520 = arith.constant 0 : i32
          %sign3A_521 = arith.cmpi slt, %multiple_of3A_514, %sign3A_520 : i32
          %sign3A_522 = arith.extui %sign3A_521 : i1 to i32
          %sign3A_523 = arith.subi %sign3A_519, %sign3A_522 : i32
          %sign3A_524 = arith.constant 0 : i32
          %sign3A_525 = arith.cmpi sgt, %jit3A_515, %sign3A_524 : i32
          %sign3A_526 = arith.extui %sign3A_525 : i1 to i32
          %sign3A_527 = arith.constant 0 : i32
          %sign3A_528 = arith.cmpi slt, %jit3A_515, %sign3A_527 : i32
          %sign3A_529 = arith.extui %sign3A_528 : i1 to i32
          %sign3A_530 = arith.subi %sign3A_526, %sign3A_529 : i32
          %ne3A_531 = arith.cmpi ne, %sign3A_523, %sign3A_530 : i32
          %rem3A_532 = arith.remsi %multiple_of3A_514, %jit3A_515 : i32
          %ne3A_533 = arith.constant 0 : i32
          %ne3A_534 = arith.cmpi ne, %rem3A_532, %ne3A_533 : i32
          %and3A_535 = arith.andi %ne3A_531, %ne3A_534 : i1
          %sub3A_536 = arith.constant 1 : i32
          %sub3A_537 = arith.subi %div3A_516, %sub3A_536 : i32
          %select_n3A_538 = arith.select %and3A_535, %sub3A_537, %div3A_516 : i32
          %add3A_539 = arith.addi %select_n3A_475, %select_n3A_538 : i32
          %jit3A_540 = arith.constant 48 : i32
          %eq3A_541 = arith.constant 0 : i32
          %eq3A_542 = arith.cmpi eq, %jit3A_540, %eq3A_541 : i32
          %jit3A_543 = arith.constant 1 : i32
          %select_n3A_544 = arith.select %eq3A_542, %jit3A_543, %jit3A_540 : i32
          %rem3A_545 = arith.remsi %multiple_of3A_514, %select_n3A_544 : i32
          %ne3A_546 = arith.constant 0 : i32
          %ne3A_547 = arith.cmpi ne, %rem3A_545, %ne3A_546 : i32
          %lt3A_548 = arith.constant 0 : i32
          %lt3A_549 = arith.cmpi slt, %rem3A_545, %lt3A_548 : i32
          %lt3A_550 = arith.constant 0 : i32
          %lt3A_551 = arith.cmpi slt, %select_n3A_544, %lt3A_550 : i32
          %ne3A_552 = arith.xori %lt3A_549, %lt3A_551 : i1
          %and3A_553 = arith.andi %ne3A_552, %ne3A_547 : i1
          %add3A_554 = arith.addi %rem3A_545, %select_n3A_544 : i32
          %select_n3A_555 = arith.select %and3A_553, %add3A_554, %rem3A_545 : i32
          %mul3A_556 = arith.constant 8 : i32
          %mul3A_557 = arith.muli %add3A_539, %mul3A_556 : i32
          %add3A_558 = vector.broadcast %mul3A_557 : i32 to vector<16xi32>
          %add3A_559 = arith.addi %add3A_558, %and3A_60 : vector<16xi32>
          %jit3A_560 = arith.constant 8 : i32
          %div3A_561 = arith.divsi %select_n3A_555, %jit3A_560 : i32
          %sign3A_562 = arith.constant 0 : i32
          %sign3A_563 = arith.cmpi sgt, %select_n3A_555, %sign3A_562 : i32
          %sign3A_564 = arith.extui %sign3A_563 : i1 to i32
          %sign3A_565 = arith.constant 0 : i32
          %sign3A_566 = arith.cmpi slt, %select_n3A_555, %sign3A_565 : i32
          %sign3A_567 = arith.extui %sign3A_566 : i1 to i32
          %sign3A_568 = arith.subi %sign3A_564, %sign3A_567 : i32
          %sign3A_569 = arith.constant 0 : i32
          %sign3A_570 = arith.cmpi sgt, %jit3A_560, %sign3A_569 : i32
          %sign3A_571 = arith.extui %sign3A_570 : i1 to i32
          %sign3A_572 = arith.constant 0 : i32
          %sign3A_573 = arith.cmpi slt, %jit3A_560, %sign3A_572 : i32
          %sign3A_574 = arith.extui %sign3A_573 : i1 to i32
          %sign3A_575 = arith.subi %sign3A_571, %sign3A_574 : i32
          %ne3A_576 = arith.cmpi ne, %sign3A_568, %sign3A_575 : i32
          %rem3A_577 = arith.remsi %select_n3A_555, %jit3A_560 : i32
          %ne3A_578 = arith.constant 0 : i32
          %ne3A_579 = arith.cmpi ne, %rem3A_577, %ne3A_578 : i32
          %and3A_580 = arith.andi %ne3A_576, %ne3A_579 : i1
          %sub3A_581 = arith.constant 1 : i32
          %sub3A_582 = arith.subi %div3A_561, %sub3A_581 : i32
          %select_n3A_583 = arith.select %and3A_580, %sub3A_582, %div3A_561 : i32
          %add3A_584 = vector.broadcast %select_n3A_583 : i32 to vector<16xi32>
          %add3A_585 = arith.addi %add3A_584, %shift_right_logical3A_62 : vector<16xi32>
          %broadcast_in_dim3A = vector.broadcast %sub3A_476 : i32 to vector<16xi32>
          %gather3A = tpu.vector_load_idx %arg6[%broadcast_in_dim3A, %add3A_559] : memref<2x4096xi32, #tpu.memory_space<vmem>>[vector<16xi32>, vector<16xi32>], vector<16xi32>,
          %gather3A_586 = tpu.vector_load_idx %arg7[%broadcast_in_dim3A, %add3A_559] : memref<2x4096xi32, #tpu.memory_space<vmem>>[vector<16xi32>, vector<16xi32>], vector<16xi32>,
          %mul3A_587 = arith.constant 2 : i32
          %mul3A_588 = vector.broadcast %mul3A_587 : i32 to vector<16xi32>
          %mul3A_589 = arith.muli %gather3A, %mul3A_588 : vector<16xi32>
          %add3A_590 = arith.addi %mul3A_589, %gather3A_586 : vector<16xi32>
          %mul3A_591 = arith.constant 30 : i32
          %mul3A_592 = vector.broadcast %mul3A_591 : i32 to vector<16xi32>
          %mul3A_593 = arith.muli %add3A_590, %mul3A_592 : vector<16xi32>
          %add3A_594 = vector.broadcast %select_n3A_459 : i32 to vector<16xi32>
          %add3A_595 = arith.addi %mul3A_593, %add3A_594 : vector<16xi32>
          %mul3A_596 = arith.constant 240 : i32
          %mul3A_597 = vector.broadcast %mul3A_596 : i32 to vector<16xi32>
          %mul3A_598 = arith.muli %add3A_585, %mul3A_597 : vector<16xi32>
          %add3A_599 = arith.addi %mul3A_598, %add3A_595 : vector<16xi32>
          %swap3A = arith.index_cast %multiple_of3A_514 : i32 to index
          %swap3A_600 = tpu.vector_load %arg9[%swap3A] {strides = array<i32>} : memref<192xi32, #tpu.memory_space<vmem>>, vector<16xi32>,
          tpu.vector_store %arg9[%swap3A], %add3A_599 {strides = array<i32>} : memref<192xi32, #tpu.memory_space<vmem>>, vector<16xi32>,
        }
        %scan3A_482 = arith.constant 12 : i32
        %add3A_483 = arith.constant 2 : i32
        %add3A_484 = arith.addi %add3A_376, %add3A_483 : i32
        %dma_start3A_485 = arith.constant 1 : i32
        %dma_start3A_486 = arith.constant 0 : i32
        %dma_start3A_487 = arith.constant 0 : i32
        %dma_start3A_488 = tpu.memref_slice %arg11[%dma_start3A_485, %dma_start3A_486, %dma_start3A_487] : memref<3x192x128xf32, #tpu.memory_space<vmem>> -> memref<1x192x128xf32, #tpu.memory_space<vmem>>
        %dma_start3A_489 = tpu.memref_squeeze %dma_start3A_488 : memref<1x192x128xf32, #tpu.memory_space<vmem>> -> memref<192x128xf32, #tpu.memory_space<vmem>>
        %dma_start3A_490 = arith.constant 0 : i32
        %dma_start3A_491 = arith.constant 0 : i32
        %dma_start3A_492 = tpu.memref_slice %dma_start3A_489[%dma_start3A_490, %dma_start3A_491] : memref<192x128xf32, #tpu.memory_space<vmem>> -> memref<128x128xf32, #tpu.memory_space<vmem>>
        %dma_start3A_493 = arith.constant 0 : i32
        %dma_start3A_494 = tpu.memref_slice %arg9[%dma_start3A_493] : memref<192xi32, #tpu.memory_space<vmem>> -> memref<128xi32, #tpu.memory_space<vmem>>
        %dma_start3A_495 = arith.constant 0 : i32
        %dma_start3A_496 = arith.constant 0 : i32
        %dma_start3A_497 = tpu.memref_slice %arg4[%dma_start3A_495, %dma_start3A_496] : memref<1440x128xf32, #tpu.memory_space<hbm>> -> memref<1440x128xf32, #tpu.memory_space<hbm>>
        tpu.enqueue_indirect_dma source(%dma_start3A_497 : memref<1440x128xf32, #tpu.memory_space<hbm>>) target(%dma_start3A_492 : memref<128x128xf32, #tpu.memory_space<vmem>>) offsets(%dma_start3A_494 : memref<128xi32, #tpu.memory_space<vmem>>) semaphore(%arg13 : memref<!tpu.dma_semaphore, #tpu.memory_space<semaphore_mem>>)
        %dma_start3A_498 = arith.constant 1 : i32
        %dma_start3A_499 = arith.constant 0 : i32
        %dma_start3A_500 = arith.constant 0 : i32
        %dma_start3A_501 = tpu.memref_slice %arg11[%dma_start3A_498, %dma_start3A_499, %dma_start3A_500] : memref<3x192x128xf32, #tpu.memory_space<vmem>> -> memref<1x192x128xf32, #tpu.memory_space<vmem>>
        %dma_start3A_502 = tpu.memref_squeeze %dma_start3A_501 : memref<1x192x128xf32, #tpu.memory_space<vmem>> -> memref<192x128xf32, #tpu.memory_space<vmem>>
        %dma_start3A_503 = arith.constant 128 : i32
        %dma_start3A_504 = arith.constant 0 : i32
        %dma_start3A_505 = tpu.memref_slice %dma_start3A_502[%dma_start3A_503, %dma_start3A_504] : memref<192x128xf32, #tpu.memory_space<vmem>> -> memref<64x128xf32, #tpu.memory_space<vmem>>
        %dma_start3A_506 = arith.constant 128 : i32
        %dma_start3A_507 = tpu.memref_slice %arg9[%dma_start3A_506] : memref<192xi32, #tpu.memory_space<vmem>> -> memref<64xi32, #tpu.memory_space<vmem>>
        %dma_start3A_508 = arith.constant 0 : i32
        %dma_start3A_509 = arith.constant 0 : i32
        %dma_start3A_510 = tpu.memref_slice %arg4[%dma_start3A_508, %dma_start3A_509] : memref<1440x128xf32, #tpu.memory_space<hbm>> -> memref<1440x128xf32, #tpu.memory_space<hbm>>
        tpu.enqueue_indirect_dma source(%dma_start3A_510 : memref<1440x128xf32, #tpu.memory_space<hbm>>) target(%dma_start3A_505 : memref<64x128xf32, #tpu.memory_space<vmem>>) offsets(%dma_start3A_507 : memref<64xi32, #tpu.memory_space<vmem>>) semaphore(%arg13 : memref<!tpu.dma_semaphore, #tpu.memory_space<semaphore_mem>>)
      } else {
      }
    }
    %scan3A_218 = arith.constant 40 : i32
    %multiple_of3A_219 = arith.constant 22464 : i32
    %multiple_of3A_220 = tpu.assume_multiple %multiple_of3A_219, 192 : i32
    %add3A_221 = arith.addi %multiple_of3A, %multiple_of3A_220 : i32
    %dma_wait3A = arith.constant 0 : i32
    %dma_wait3A_222 = arith.constant 0 : i32
    %dma_wait3A_223 = arith.constant 0 : i32
    %dma_wait3A_224 = tpu.memref_slice %arg11[%dma_wait3A, %dma_wait3A_222, %dma_wait3A_223] : memref<3x192x128xf32, #tpu.memory_space<vmem>> -> memref<1x192x128xf32, #tpu.memory_space<vmem>>
    %dma_wait3A_225 = tpu.memref_squeeze %dma_wait3A_224 : memref<1x192x128xf32, #tpu.memory_space<vmem>> -> memref<192x128xf32, #tpu.memory_space<vmem>>
    %dma_wait3A_226 = arith.constant 0 : i32
    %dma_wait3A_227 = tpu.memref_slice %arg5[%add3A_221, %dma_wait3A_226] : memref<737280x128xf32, #tpu.memory_space<hbm>> -> memref<192x128xf32, #tpu.memory_space<hbm>>
    %dma_wait3A_228 = arith.constant 0 : i32
    %dma_wait3A_229 = tpu.memref_slice %arg5[%add3A_221, %dma_wait3A_228] : memref<737280x128xf32, #tpu.memory_space<hbm>> -> memref<192x128xf32, #tpu.memory_space<hbm>>
    %dma_wait3A_230 = arith.constant 0 : i32
    %dma_wait3A_231 = arith.constant 0 : i32
    %dma_wait3A_232 = tpu.memref_slice %arg11[%dma_wait3A, %dma_wait3A_230, %dma_wait3A_231] : memref<3x192x128xf32, #tpu.memory_space<vmem>> -> memref<1x192x128xf32, #tpu.memory_space<vmem>>
    %dma_wait3A_233 = tpu.memref_squeeze %dma_wait3A_232 : memref<1x192x128xf32, #tpu.memory_space<vmem>> -> memref<192x128xf32, #tpu.memory_space<vmem>>
    tpu.wait_dma2 semaphore(%arg15 : memref<!tpu.dma_semaphore, #tpu.memory_space<semaphore_mem>>) src(%dma_wait3A_233 : memref<192x128xf32, #tpu.memory_space<vmem>>) dst(%dma_wait3A_229 : memref<192x128xf32, #tpu.memory_space<hbm>>)
    %multiple_of3A_234 = arith.constant 22656 : i32
    %multiple_of3A_235 = tpu.assume_multiple %multiple_of3A_234, 192 : i32
    %add3A_236 = arith.addi %multiple_of3A, %multiple_of3A_235 : i32
    %dma_wait3A_237 = arith.constant 1 : i32
    %dma_wait3A_238 = arith.constant 0 : i32
    %dma_wait3A_239 = arith.constant 0 : i32
    %dma_wait3A_240 = tpu.memref_slice %arg11[%dma_wait3A_237, %dma_wait3A_238, %dma_wait3A_239] : memref<3x192x128xf32, #tpu.memory_space<vmem>> -> memref<1x192x128xf32, #tpu.memory_space<vmem>>
    %dma_wait3A_241 = tpu.memref_squeeze %dma_wait3A_240 : memref<1x192x128xf32, #tpu.memory_space<vmem>> -> memref<192x128xf32, #tpu.memory_space<vmem>>
    %dma_wait3A_242 = arith.constant 0 : i32
    %dma_wait3A_243 = tpu.memref_slice %arg5[%add3A_236, %dma_wait3A_242] : memref<737280x128xf32, #tpu.memory_space<hbm>> -> memref<192x128xf32, #tpu.memory_space<hbm>>
    %dma_wait3A_244 = arith.constant 0 : i32
    %dma_wait3A_245 = tpu.memref_slice %arg5[%add3A_236, %dma_wait3A_244] : memref<737280x128xf32, #tpu.memory_space<hbm>> -> memref<192x128xf32, #tpu.memory_space<hbm>>
    %dma_wait3A_246 = arith.constant 0 : i32
    %dma_wait3A_247 = arith.constant 0 : i32
    %dma_wait3A_248 = tpu.memref_slice %arg11[%dma_wait3A_237, %dma_wait3A_246, %dma_wait3A_247] : memref<3x192x128xf32, #tpu.memory_space<vmem>> -> memref<1x192x128xf32, #tpu.memory_space<vmem>>
    %dma_wait3A_249 = tpu.memref_squeeze %dma_wait3A_248 : memref<1x192x128xf32, #tpu.memory_space<vmem>> -> memref<192x128xf32, #tpu.memory_space<vmem>>
    tpu.wait_dma2 semaphore(%arg16 : memref<!tpu.dma_semaphore, #tpu.memory_space<semaphore_mem>>) src(%dma_wait3A_249 : memref<192x128xf32, #tpu.memory_space<vmem>>) dst(%dma_wait3A_245 : memref<192x128xf32, #tpu.memory_space<hbm>>)
    %multiple_of3A_250 = arith.constant 22848 : i32
    %multiple_of3A_251 = tpu.assume_multiple %multiple_of3A_250, 192 : i32
    %add3A_252 = arith.addi %multiple_of3A, %multiple_of3A_251 : i32
    %dma_wait3A_253 = arith.constant 2 : i32
    %dma_wait3A_254 = arith.constant 0 : i32
    %dma_wait3A_255 = arith.constant 0 : i32
    %dma_wait3A_256 = tpu.memref_slice %arg11[%dma_wait3A_253, %dma_wait3A_254, %dma_wait3A_255] : memref<3x192x128xf32, #tpu.memory_space<vmem>> -> memref<1x192x128xf32, #tpu.memory_space<vmem>>
    %dma_wait3A_257 = tpu.memref_squeeze %dma_wait3A_256 : memref<1x192x128xf32, #tpu.memory_space<vmem>> -> memref<192x128xf32, #tpu.memory_space<vmem>>
    %dma_wait3A_258 = arith.constant 0 : i32
    %dma_wait3A_259 = tpu.memref_slice %arg5[%add3A_252, %dma_wait3A_258] : memref<737280x128xf32, #tpu.memory_space<hbm>> -> memref<192x128xf32, #tpu.memory_space<hbm>>
    %dma_wait3A_260 = arith.constant 0 : i32
    %dma_wait3A_261 = tpu.memref_slice %arg5[%add3A_252, %dma_wait3A_260] : memref<737280x128xf32, #tpu.memory_space<hbm>> -> memref<192x128xf32, #tpu.memory_space<hbm>>
    %dma_wait3A_262 = arith.constant 0 : i32
    %dma_wait3A_263 = arith.constant 0 : i32
    %dma_wait3A_264 = tpu.memref_slice %arg11[%dma_wait3A_253, %dma_wait3A_262, %dma_wait3A_263] : memref<3x192x128xf32, #tpu.memory_space<vmem>> -> memref<1x192x128xf32, #tpu.memory_space<vmem>>
    %dma_wait3A_265 = tpu.memref_squeeze %dma_wait3A_264 : memref<1x192x128xf32, #tpu.memory_space<vmem>> -> memref<192x128xf32, #tpu.memory_space<vmem>>
    tpu.wait_dma2 semaphore(%arg17 : memref<!tpu.dma_semaphore, #tpu.memory_space<semaphore_mem>>) src(%dma_wait3A_265 : memref<192x128xf32, #tpu.memory_space<vmem>>) dst(%dma_wait3A_261 : memref<192x128xf32, #tpu.memory_space<hbm>>)
    return
  }
}

module attributes {stable_mosaic.version = 14 : i64} {
  func.func @_combo_body(%arg0: memref<4x768xf32, #tpu.memory_space<vmem>>, %arg1: memref<30x768xf32, #tpu.memory_space<vmem>>, %arg2: memref<2x768xf32, #tpu.memory_space<vmem>>, %arg3: memref<1x768xf32, #tpu.memory_space<vmem>>, %arg4: memref<1x768xf32, #tpu.memory_space<vmem>>, %arg5: memref<1440x128xf32, #tpu.memory_space<vmem>>) attributes {dimension_semantics = [], scalar_prefetch = 0 : i64, scratch_operands = 0 : i64, tpu.core_type = #tpu.core_type<tc>} {
    %iota3A = tpu.iota {dimensions = array<i32: 0>} : vector<240x1xi32>
    %jit3A = arith.constant 60 : i32
    %div3A = vector.broadcast %jit3A : i32 to vector<240x1xi32>
    %div3A_0 = arith.divsi %iota3A, %div3A : vector<240x1xi32>
    %sign3A = arith.constant 0 : i32
    %sign3A_1 = vector.broadcast %sign3A : i32 to vector<240x1xi32>
    %sign3A_2 = arith.cmpi sgt, %iota3A, %sign3A_1 : vector<240x1xi32>
    %sign3A_3 = arith.extui %sign3A_2 : vector<240x1xi1> to vector<240x1xi32>
    %sign3A_4 = arith.constant 0 : i32
    %sign3A_5 = vector.broadcast %sign3A_4 : i32 to vector<240x1xi32>
    %sign3A_6 = arith.cmpi slt, %iota3A, %sign3A_5 : vector<240x1xi32>
    %sign3A_7 = arith.extui %sign3A_6 : vector<240x1xi1> to vector<240x1xi32>
    %sign3A_8 = arith.subi %sign3A_3, %sign3A_7 : vector<240x1xi32>
    %sign3A_9 = arith.constant 0 : i32
    %sign3A_10 = arith.cmpi sgt, %jit3A, %sign3A_9 : i32
    %sign3A_11 = arith.extui %sign3A_10 : i1 to i32
    %sign3A_12 = arith.constant 0 : i32
    %sign3A_13 = arith.cmpi slt, %jit3A, %sign3A_12 : i32
    %sign3A_14 = arith.extui %sign3A_13 : i1 to i32
    %sign3A_15 = arith.subi %sign3A_11, %sign3A_14 : i32
    %ne3A = vector.broadcast %sign3A_15 : i32 to vector<240x1xi32>
    %ne3A_16 = arith.cmpi ne, %sign3A_8, %ne3A : vector<240x1xi32>
    %rem3A = vector.broadcast %jit3A : i32 to vector<240x1xi32>
    %rem3A_17 = arith.remsi %iota3A, %rem3A : vector<240x1xi32>
    %ne3A_18 = arith.constant 0 : i32
    %ne3A_19 = vector.broadcast %ne3A_18 : i32 to vector<240x1xi32>
    %ne3A_20 = arith.cmpi ne, %rem3A_17, %ne3A_19 : vector<240x1xi32>
    %and3A = arith.andi %ne3A_16, %ne3A_20 : vector<240x1xi1>
    %sub3A = arith.constant 1 : i32
    %sub3A_21 = vector.broadcast %sub3A : i32 to vector<240x1xi32>
    %sub3A_22 = arith.subi %div3A_0, %sub3A_21 : vector<240x1xi32>
    %select_n3A = arith.select %and3A, %sub3A_22, %div3A_0 : vector<240x1xi1>, vector<240x1xi32>
    %iota3A_23 = tpu.iota {dimensions = array<i32: 1>} : vector<240x4xi32>
    %eq3A = vector.broadcast %select_n3A : vector<240x1xi32> to vector<240x4xi32>
    %eq3A_24 = arith.cmpi eq, %eq3A, %iota3A_23 : vector<240x4xi32>
    %convert_element_type3A = arith.extui %eq3A_24 : vector<240x4xi1> to vector<240x4xi32>
    %convert_element_type3A_25 = arith.sitofp %convert_element_type3A : vector<240x4xi32> to vector<240x4xf32>
    %get3A = arith.constant 0 : index
    %get3A_26 = arith.constant 0 : index
    %get3A_27 = vector.load %arg0[%get3A, %get3A_26] : memref<4x768xf32, #tpu.memory_space<vmem>>, vector<4x768xf32>
    %dot_general3A = arith.constant dense<0.000000e+00> : vector<240x768xf32>
    %dot_general3A_28 = tpu.matmul %convert_element_type3A_25, %get3A_27, %dot_general3A {dimension_numbers = #tpu.dot_dimension_numbers<[1], [0], [0], [1], [0, 0, 1, 1], [], []>, transpose_lhs_hint = false} : vector<240x4xf32>, vector<4x768xf32>, vector<240x768xf32> -> vector<240x768xf32>
    %jit3A_29 = arith.constant 30 : i32
    %div3A_30 = vector.broadcast %jit3A_29 : i32 to vector<240x1xi32>
    %div3A_31 = arith.divsi %iota3A, %div3A_30 : vector<240x1xi32>
    %sign3A_32 = arith.constant 0 : i32
    %sign3A_33 = vector.broadcast %sign3A_32 : i32 to vector<240x1xi32>
    %sign3A_34 = arith.cmpi sgt, %iota3A, %sign3A_33 : vector<240x1xi32>
    %sign3A_35 = arith.extui %sign3A_34 : vector<240x1xi1> to vector<240x1xi32>
    %sign3A_36 = arith.constant 0 : i32
    %sign3A_37 = vector.broadcast %sign3A_36 : i32 to vector<240x1xi32>
    %sign3A_38 = arith.cmpi slt, %iota3A, %sign3A_37 : vector<240x1xi32>
    %sign3A_39 = arith.extui %sign3A_38 : vector<240x1xi1> to vector<240x1xi32>
    %sign3A_40 = arith.subi %sign3A_35, %sign3A_39 : vector<240x1xi32>
    %sign3A_41 = arith.constant 0 : i32
    %sign3A_42 = arith.cmpi sgt, %jit3A_29, %sign3A_41 : i32
    %sign3A_43 = arith.extui %sign3A_42 : i1 to i32
    %sign3A_44 = arith.constant 0 : i32
    %sign3A_45 = arith.cmpi slt, %jit3A_29, %sign3A_44 : i32
    %sign3A_46 = arith.extui %sign3A_45 : i1 to i32
    %sign3A_47 = arith.subi %sign3A_43, %sign3A_46 : i32
    %ne3A_48 = vector.broadcast %sign3A_47 : i32 to vector<240x1xi32>
    %ne3A_49 = arith.cmpi ne, %sign3A_40, %ne3A_48 : vector<240x1xi32>
    %rem3A_50 = vector.broadcast %jit3A_29 : i32 to vector<240x1xi32>
    %rem3A_51 = arith.remsi %iota3A, %rem3A_50 : vector<240x1xi32>
    %ne3A_52 = arith.constant 0 : i32
    %ne3A_53 = vector.broadcast %ne3A_52 : i32 to vector<240x1xi32>
    %ne3A_54 = arith.cmpi ne, %rem3A_51, %ne3A_53 : vector<240x1xi32>
    %and3A_55 = arith.andi %ne3A_49, %ne3A_54 : vector<240x1xi1>
    %sub3A_56 = arith.constant 1 : i32
    %sub3A_57 = vector.broadcast %sub3A_56 : i32 to vector<240x1xi32>
    %sub3A_58 = arith.subi %div3A_31, %sub3A_57 : vector<240x1xi32>
    %select_n3A_59 = arith.select %and3A_55, %sub3A_58, %div3A_31 : vector<240x1xi1>, vector<240x1xi32>
    %jit3A_60 = arith.constant 2 : i32
    %eq3A_61 = arith.constant 0 : i32
    %eq3A_62 = arith.cmpi eq, %jit3A_60, %eq3A_61 : i32
    %jit3A_63 = arith.constant 1 : i32
    %select_n3A_64 = arith.select %eq3A_62, %jit3A_63, %jit3A_60 : i32
    %rem3A_65 = vector.broadcast %select_n3A_64 : i32 to vector<240x1xi32>
    %rem3A_66 = arith.remsi %select_n3A_59, %rem3A_65 : vector<240x1xi32>
    %ne3A_67 = arith.constant 0 : i32
    %ne3A_68 = vector.broadcast %ne3A_67 : i32 to vector<240x1xi32>
    %ne3A_69 = arith.cmpi ne, %rem3A_66, %ne3A_68 : vector<240x1xi32>
    %lt3A = arith.constant 0 : i32
    %lt3A_70 = vector.broadcast %lt3A : i32 to vector<240x1xi32>
    %lt3A_71 = arith.cmpi slt, %rem3A_66, %lt3A_70 : vector<240x1xi32>
    %lt3A_72 = arith.constant 0 : i32
    %lt3A_73 = arith.cmpi slt, %select_n3A_64, %lt3A_72 : i32
    %ne3A_74 = vector.broadcast %lt3A_73 : i1 to vector<240x1xi1>
    %ne3A_75 = vector.broadcast %ne3A_74 : vector<240x1xi1> to vector<240x1xi1>
    %ne3A_76 = arith.xori %lt3A_71, %ne3A_75 : vector<240x1xi1>
    %and3A_77 = arith.andi %ne3A_76, %ne3A_69 : vector<240x1xi1>
    %add3A = vector.broadcast %select_n3A_64 : i32 to vector<240x1xi32>
    %add3A_78 = arith.addi %rem3A_66, %add3A : vector<240x1xi32>
    %select_n3A_79 = arith.select %and3A_77, %add3A_78, %rem3A_66 : vector<240x1xi1>, vector<240x1xi32>
    %iota3A_80 = tpu.iota {dimensions = array<i32: 1>} : vector<240x2xi32>
    %eq3A_81 = vector.broadcast %select_n3A_79 : vector<240x1xi32> to vector<240x2xi32>
    %eq3A_82 = arith.cmpi eq, %eq3A_81, %iota3A_80 : vector<240x2xi32>
    %convert_element_type3A_83 = arith.extui %eq3A_82 : vector<240x2xi1> to vector<240x2xi32>
    %convert_element_type3A_84 = arith.sitofp %convert_element_type3A_83 : vector<240x2xi32> to vector<240x2xf32>
    %get3A_85 = arith.constant 0 : index
    %get3A_86 = arith.constant 0 : index
    %get3A_87 = vector.load %arg2[%get3A_85, %get3A_86] : memref<2x768xf32, #tpu.memory_space<vmem>>, vector<2x768xf32>
    %dot_general3A_88 = arith.constant dense<0.000000e+00> : vector<240x768xf32>
    %dot_general3A_89 = tpu.matmul %convert_element_type3A_84, %get3A_87, %dot_general3A_88 {dimension_numbers = #tpu.dot_dimension_numbers<[1], [0], [0], [1], [0, 0, 1, 1], [], []>, transpose_lhs_hint = false} : vector<240x2xf32>, vector<2x768xf32>, vector<240x768xf32> -> vector<240x768xf32>
    %add3A_90 = arith.addf %dot_general3A_28, %dot_general3A_89 : vector<240x768xf32>
    %jit3A_91 = arith.constant 30 : i32
    %eq3A_92 = arith.constant 0 : i32
    %eq3A_93 = arith.cmpi eq, %jit3A_91, %eq3A_92 : i32
    %jit3A_94 = arith.constant 1 : i32
    %select_n3A_95 = arith.select %eq3A_93, %jit3A_94, %jit3A_91 : i32
    %rem3A_96 = vector.broadcast %select_n3A_95 : i32 to vector<240x1xi32>
    %rem3A_97 = arith.remsi %iota3A, %rem3A_96 : vector<240x1xi32>
    %ne3A_98 = arith.constant 0 : i32
    %ne3A_99 = vector.broadcast %ne3A_98 : i32 to vector<240x1xi32>
    %ne3A_100 = arith.cmpi ne, %rem3A_97, %ne3A_99 : vector<240x1xi32>
    %lt3A_101 = arith.constant 0 : i32
    %lt3A_102 = vector.broadcast %lt3A_101 : i32 to vector<240x1xi32>
    %lt3A_103 = arith.cmpi slt, %rem3A_97, %lt3A_102 : vector<240x1xi32>
    %lt3A_104 = arith.constant 0 : i32
    %lt3A_105 = arith.cmpi slt, %select_n3A_95, %lt3A_104 : i32
    %ne3A_106 = vector.broadcast %lt3A_105 : i1 to vector<240x1xi1>
    %ne3A_107 = vector.broadcast %ne3A_106 : vector<240x1xi1> to vector<240x1xi1>
    %ne3A_108 = arith.xori %lt3A_103, %ne3A_107 : vector<240x1xi1>
    %and3A_109 = arith.andi %ne3A_108, %ne3A_100 : vector<240x1xi1>
    %add3A_110 = vector.broadcast %select_n3A_95 : i32 to vector<240x1xi32>
    %add3A_111 = arith.addi %rem3A_97, %add3A_110 : vector<240x1xi32>
    %select_n3A_112 = arith.select %and3A_109, %add3A_111, %rem3A_97 : vector<240x1xi1>, vector<240x1xi32>
    %iota3A_113 = tpu.iota {dimensions = array<i32: 1>} : vector<240x30xi32>
    %eq3A_114 = vector.broadcast %select_n3A_112 : vector<240x1xi32> to vector<240x30xi32>
    %eq3A_115 = arith.cmpi eq, %eq3A_114, %iota3A_113 : vector<240x30xi32>
    %convert_element_type3A_116 = arith.extui %eq3A_115 : vector<240x30xi1> to vector<240x30xi32>
    %convert_element_type3A_117 = arith.sitofp %convert_element_type3A_116 : vector<240x30xi32> to vector<240x30xf32>
    %get3A_118 = arith.constant 0 : index
    %get3A_119 = arith.constant 0 : index
    %get3A_120 = vector.load %arg1[%get3A_118, %get3A_119] : memref<30x768xf32, #tpu.memory_space<vmem>>, vector<30x768xf32>
    %dot_general3A_121 = arith.constant dense<0.000000e+00> : vector<240x768xf32>
    %dot_general3A_122 = tpu.matmul %convert_element_type3A_117, %get3A_120, %dot_general3A_121 {dimension_numbers = #tpu.dot_dimension_numbers<[1], [0], [0], [1], [0, 0, 1, 1], [], []>, transpose_lhs_hint = false} : vector<240x30xf32>, vector<30x768xf32>, vector<240x768xf32> -> vector<240x768xf32>
    %add3A_123 = arith.addf %add3A_90, %dot_general3A_122 : vector<240x768xf32>
    %reduce_sum3A = arith.constant dense<0.000000e+00> : vector<240xf32>
    %reduce_sum3A_124 = vector.multi_reduction <add>, %add3A_123, %reduce_sum3A [1] : vector<240x768xf32> to vector<240xf32>
    %broadcast_in_dim3A = vector.shape_cast %reduce_sum3A_124 : vector<240xf32> to vector<240x1xf32>
    %div3A_125 = arith.constant 7.680000e+02 : f32
    %div3A_126 = vector.broadcast %div3A_125 : f32 to vector<240x1xf32>
    %div3A_127 = arith.divf %broadcast_in_dim3A, %div3A_126 : vector<240x1xf32>
    %sub3A_128 = vector.broadcast %div3A_127 : vector<240x1xf32> to vector<240x768xf32>
    %sub3A_129 = arith.subf %add3A_123, %sub3A_128 : vector<240x768xf32>
    %mul3A = arith.mulf %sub3A_129, %sub3A_129 : vector<240x768xf32>
    %reduce_sum3A_130 = arith.constant dense<0.000000e+00> : vector<240xf32>
    %reduce_sum3A_131 = vector.multi_reduction <add>, %mul3A, %reduce_sum3A_130 [1] : vector<240x768xf32> to vector<240xf32>
    %broadcast_in_dim3A_132 = vector.shape_cast %reduce_sum3A_131 : vector<240xf32> to vector<240x1xf32>
    %div3A_133 = arith.constant 7.680000e+02 : f32
    %div3A_134 = vector.broadcast %div3A_133 : f32 to vector<240x1xf32>
    %div3A_135 = arith.divf %broadcast_in_dim3A_132, %div3A_134 : vector<240x1xf32>
    %add3A_136 = arith.constant 9.99999974E-6 : f32
    %add3A_137 = vector.broadcast %add3A_136 : f32 to vector<240x1xf32>
    %add3A_138 = arith.addf %div3A_135, %add3A_137 : vector<240x1xf32>
    %rsqrt3A = math.rsqrt %add3A_138 : vector<240x1xf32>
    %mul3A_139 = vector.broadcast %rsqrt3A : vector<240x1xf32> to vector<240x768xf32>
    %mul3A_140 = arith.mulf %sub3A_129, %mul3A_139 : vector<240x768xf32>
    %get3A_141 = arith.constant 0 : index
    %get3A_142 = arith.constant 0 : index
    %get3A_143 = vector.load %arg3[%get3A_141, %get3A_142] : memref<1x768xf32, #tpu.memory_space<vmem>>, vector<1x768xf32>
    %mul3A_144 = vector.broadcast %get3A_143 : vector<1x768xf32> to vector<240x768xf32>
    %mul3A_145 = arith.mulf %mul3A_140, %mul3A_144 : vector<240x768xf32>
    %get3A_146 = arith.constant 0 : index
    %get3A_147 = arith.constant 0 : index
    %get3A_148 = vector.load %arg4[%get3A_146, %get3A_147] : memref<1x768xf32, #tpu.memory_space<vmem>>, vector<1x768xf32>
    %add3A_149 = vector.broadcast %get3A_148 : vector<1x768xf32> to vector<240x768xf32>
    %add3A_150 = arith.addf %mul3A_145, %add3A_149 : vector<240x768xf32>
    %slice3A = vector.extract_strided_slice %add3A_150 {offsets = [0, 0], sizes = [240, 128], strides = [1, 1]} : vector<240x768xf32> to vector<240x128xf32>
    %swap3A = arith.constant 0 : index
    %swap3A_151 = arith.constant 0 : index
    %swap3A_152 = vector.load %arg5[%swap3A, %swap3A_151] : memref<1440x128xf32, #tpu.memory_space<vmem>>, vector<240x128xf32>
    tpu.vector_store %arg5[%swap3A, %swap3A_151], %slice3A {strides = array<i32>} : memref<1440x128xf32, #tpu.memory_space<vmem>>, vector<240x128xf32>,
    %slice3A_153 = vector.extract_strided_slice %add3A_150 {offsets = [0, 128], sizes = [240, 128], strides = [1, 1]} : vector<240x768xf32> to vector<240x128xf32>
    %swap3A_154 = arith.constant 240 : index
    %swap3A_155 = arith.constant 0 : index
    %swap3A_156 = vector.load %arg5[%swap3A_154, %swap3A_155] : memref<1440x128xf32, #tpu.memory_space<vmem>>, vector<240x128xf32>
    tpu.vector_store %arg5[%swap3A_154, %swap3A_155], %slice3A_153 {strides = array<i32>} : memref<1440x128xf32, #tpu.memory_space<vmem>>, vector<240x128xf32>,
    %slice3A_157 = vector.extract_strided_slice %add3A_150 {offsets = [0, 256], sizes = [240, 128], strides = [1, 1]} : vector<240x768xf32> to vector<240x128xf32>
    %swap3A_158 = arith.constant 480 : index
    %swap3A_159 = arith.constant 0 : index
    %swap3A_160 = vector.load %arg5[%swap3A_158, %swap3A_159] : memref<1440x128xf32, #tpu.memory_space<vmem>>, vector<240x128xf32>
    tpu.vector_store %arg5[%swap3A_158, %swap3A_159], %slice3A_157 {strides = array<i32>} : memref<1440x128xf32, #tpu.memory_space<vmem>>, vector<240x128xf32>,
    %slice3A_161 = vector.extract_strided_slice %add3A_150 {offsets = [0, 384], sizes = [240, 128], strides = [1, 1]} : vector<240x768xf32> to vector<240x128xf32>
    %swap3A_162 = arith.constant 720 : index
    %swap3A_163 = arith.constant 0 : index
    %swap3A_164 = vector.load %arg5[%swap3A_162, %swap3A_163] : memref<1440x128xf32, #tpu.memory_space<vmem>>, vector<240x128xf32>
    tpu.vector_store %arg5[%swap3A_162, %swap3A_163], %slice3A_161 {strides = array<i32>} : memref<1440x128xf32, #tpu.memory_space<vmem>>, vector<240x128xf32>,
    %slice3A_165 = vector.extract_strided_slice %add3A_150 {offsets = [0, 512], sizes = [240, 128], strides = [1, 1]} : vector<240x768xf32> to vector<240x128xf32>
    %swap3A_166 = arith.constant 960 : index
    %swap3A_167 = arith.constant 0 : index
    %swap3A_168 = vector.load %arg5[%swap3A_166, %swap3A_167] : memref<1440x128xf32, #tpu.memory_space<vmem>>, vector<240x128xf32>
    tpu.vector_store %arg5[%swap3A_166, %swap3A_167], %slice3A_165 {strides = array<i32>} : memref<1440x128xf32, #tpu.memory_space<vmem>>, vector<240x128xf32>,
    %slice3A_169 = vector.extract_strided_slice %add3A_150 {offsets = [0, 640], sizes = [240, 128], strides = [1, 1]} : vector<240x768xf32> to vector<240x128xf32>
    %swap3A_170 = arith.constant 1200 : index
    %swap3A_171 = arith.constant 0 : index
    %swap3A_172 = vector.load %arg5[%swap3A_170, %swap3A_171] : memref<1440x128xf32, #tpu.memory_space<vmem>>, vector<240x128xf32>
    tpu.vector_store %arg5[%swap3A_170, %swap3A_171], %slice3A_169 {strides = array<i32>} : memref<1440x128xf32, #tpu.memory_space<vmem>>, vector<240x128xf32>,
    return
  }
}

</mosaic_0001>

<sc_bundles>
// kernel: kernel.4.cloned.1.call-start
scs
__scs_entry_jumppad:
0x0: {  	(pc) =	sbr.rel $0x88, $3  }
0x1: {  	(tag) =	ssettag $0x0;
	lr =	simm.s32 $0x1  }
0x2: {  	[smem:$0x3F9A] =	sst lr;
	_ =	strace $0xD0000000  }
0x3: {  	_ = 	snop  }
0x4: {  	_ = 	snop  }
0x5: {  	_ = 	snop  }
0x6: {  	_ = 	snop  }
0x7: {  	_ = 	snop  }
__scs_overlays_trampoline_lowered:
0x8: {  	[smem:$0x3FA9] =	sst s0  }
0x9: {  	[smem:$0x3FAA] =	sst s1  }
0xa: {  	[smem:$0x3FAB] =	sst s2  }
0xb: {  	[smem:$0x3FAC] =	sst s3  }
0xc: {  	[smem:$0x3FAD] =	sst s4  }
0xd: {  	[smem:$0x3FAE] =	sst s5  }
0xe: {  	[smem:$0x3FAF] =	sst s6  }
0xf: {  	[smem:$0x3FB0] =	sst s7  }
0x10: {  	[smem:$0x3FB1] =	sst s8  }
0x11: {  	[smem:$0x3FB2] =	sst s9;
	s0 =	simm.s32 @!p0 $0x0  }
0x12: {  	s1 =	sld [smem:$0x3F98];
	s0 =	simm.s32 @p0 $0x1  }
0x13: {  	[smem:$0x3FB3] =	sst s0;
	s0 =	simm.s32 @!p1 $0x0  }
0x14: {  	s2 =	sld [smem:$0x3F97];
	s0 =	simm.s32 @p1 $0x1  }
0x15: {  	[smem:$0x3FB4] =	sst s0;
	s0 =	simm.s32 @!p2 $0x0  }
0x16: {  	s3 =	sld [smem:$0x3FDB];
	s0 =	simm.s32 @p2 $0x1  }
0x17: {  	s4 =	simm.s32 $0x1BF5;
	[smem:$0x3FB6] =	sst s0  }
0x18: {  	s0 =	sld [smem:$0x3F99];
	_ =	swait.ge [sflag:s4], $0x0  }
0x19: {  	s7 =	sld [smem:$0x3F9A]  }
0x1a: {  	s8 =	sadd.s32 $0xFFFFE003, lr  }
0x1b: {  	s9 =	sadd.s32 $0xFFFFFEF7, lr;
	s5 =	simm.s32 $0xFFFFFFFF;
	p2 =	slt.u32 s8, $0xFFFFF086  }
0x1c: {  	p1 =	slt.u32 s9, $0xF7A;
	s5 =	simm.s32 @!p2 $0x0  }
0x1d: {  	s5 =	simm.s32 @p1 $0x1;
	p0 =	seq.s32 s7, s2  }
0x1e: {  	s7 =	smul.u32 @!p0 $0xF7A, s2;
	p2 =	seq.s32 @!p0 s5, $0x0  }
0x1f: {  	s9 =	smul.u32 $0xF7A, s1;
	s8 =	simm.s32 @!p0 $0x1BF5;
	p2 =	por !p2, p0  }
0x20: {  	[sflag:s8] =	ssyncset.s32 @!p0 $0xFFFFF086;
	s6 =	sadd.s32 @!p0 s3, s7;
	s7 =	simm.s32 @!p0 $0x108  }
0x21: {  	s3 =	sadd.s32 s3, s9;
	s6 =	sadd.s32 @!p0 $0x88, s6;
	s7 =	simm.s32 @p2 $0x1082  }
0x22: {  	[simem:s7], [sflag:s8] =	dma.local @!p0 [hbm:s6], $0xF7A  }
0x23: {  	s9 =	sor.u32 $0xD0000000, s2;
	s6 =	simm.s32 $0x108;
	_ =	swait.ge @!p0 [sflag:s8], $0x0  }
0x24: {  	s3 =	sadd.s32 $0x88, s3;
	s6 =	simm.s32 @!p1 $0x1082;
	[sflag:s4] =	ssyncset.s32 $0xFFFFF086  }
0x25: {  	[simem:s6], [sflag:s4] =	dma.local [hbm:s3], $0xF7A  }
0x26: {  	[smem:$0x3F9A] =	sst s1;
	(tag) =	ssettag s2;
	_ =	strace s9  }
0x27: {  	s1 =	sld [smem:$0x3FAA]  }
0x28: {  	s2 =	sld [smem:$0x3FAB]  }
0x29: {  	s4 =	sld [smem:$0x3FAD]  }
0x2a: {  	p0 =	seq.s32 s5, $0x0;
	s5 =	sld [smem:$0x3FAE]  }
0x2b: {  	s6 =	sld [smem:$0x3FAF]  }
0x2c: {  	s7 =	sld [smem:$0x3FB0]  }
0x2d: {  	s3 =	simm.s32 $0x108;
	s8 =	sld [smem:$0x3FB1]  }
0x2e: {  	s3 =	simm.s32 @!p0 $0x1082;
	s9 =	sld [smem:$0x3FB2]  }
0x2f: {  	lr =	sadd.s32 s0, s3;
	s0 =	sld [smem:$0x3FA9]  }
0x30: {  	s3 =	sld [smem:$0x3FAC]  }
0x31: {  	[smem:$0x3FB5] =	sst s10  }
0x32: {  	s10 =	sld [smem:$0x3FB3];
	_ =	sdelay $0x3  }
0x33: {  	p0 =	seq.s32 s10, $0x1;
	s10 =	sld [smem:$0x3FB5];
	_ =	sdelay $0x3  }
0x34: {  	[smem:$0x3FB5] =	sst s10  }
0x35: {  	s10 =	sld [smem:$0x3FB4];
	_ =	sdelay $0x3  }
0x36: {  	p1 =	seq.s32 s10, $0x1;
	s10 =	sld [smem:$0x3FB5];
	_ =	sdelay $0x3  }
0x37: {  	[smem:$0x3FB5] =	sst s10  }
0x38: {  	s10 =	sld [smem:$0x3FB6]  }
0x39: {  	_ = 	snop;
	(pc) =	sbr.ind lr, $3  }
0x3a: {  	_ = 	snop  }
0x3b: {  	_ = 	snop  }
0x3c: {  	p2 =	seq.s32 s10, $0x1;
	s10 =	sld [smem:$0x3FB5]  }
0x3d: {  	_ =	shalt  }
0x3e: {  	_ =	shalt  }
0x3f: {  	_ =	shalt  }
0x40: {  	_ =	shalt  }
0x41: {  	_ =	shalt  }
0x42: {  	_ =	shalt  }
0x43: {  	_ =	shalt  }
0x44: {  	_ =	shalt  }
0x45: {  	_ =	shalt  }
0x46: {  	_ =	shalt  }
0x47: {  	_ =	shalt  }
0x48: {  	_ =	shalt  }
0x49: {  	_ =	shalt  }
0x4a: {  	_ =	shalt  }
0x4b: {  	_ =	shalt  }
0x4c: {  	_ =	shalt  }
0x4d: {  	_ =	shalt  }
0x4e: {  	_ =	shalt  }
0x4f: {  	_ =	shalt  }
0x50: {  	_ =	shalt  }
0x51: {  	_ =	shalt  }
0x52: {  	_ =	shalt  }
0x53: {  	_ =	shalt  }
0x54: {  	_ =	shalt  }
0x55: {  	_ =	shalt  }
0x56: {  	_ =	shalt  }
0x57: {  	_ =	shalt  }
0x58: {  	_ =	shalt  }
0x59: {  	_ =	shalt  }
0x5a: {  	_ =	shalt  }
0x5b: {  	_ =	shalt  }
0x5c: {  	_ =	shalt  }
0x5d: {  	_ =	shalt  }
0x5e: {  	_ =	shalt  }
0x5f: {  	_ =	shalt  }
0x60: {  	_ =	shalt  }
0x61: {  	_ =	shalt  }
0x62: {  	_ =	shalt  }
0x63: {  	_ =	shalt  }
0x64: {  	_ =	shalt  }
0x65: {  	_ =	shalt  }
0x66: {  	_ =	shalt  }
0x67: {  	_ =	shalt  }
0x68: {  	_ =	shalt  }
0x69: {  	_ =	shalt  }
0x6a: {  	_ =	shalt  }
0x6b: {  	_ =	shalt  }
0x6c: {  	_ =	shalt  }
0x6d: {  	_ =	shalt  }
0x6e: {  	_ =	shalt  }
0x6f: {  	_ =	shalt  }
0x70: {  	_ =	shalt  }
0x71: {  	_ =	shalt  }
0x72: {  	_ =	shalt  }
0x73: {  	_ =	shalt  }
0x74: {  	_ =	shalt  }
0x75: {  	_ =	shalt  }
0x76: {  	_ =	shalt  }
0x77: {  	_ =	shalt  }
0x78: {  	_ =	shalt  }
0x79: {  	_ =	shalt  }
0x7a: {  	_ =	shalt  }
0x7b: {  	_ =	shalt  }
0x7c: {  	_ =	shalt  }
0x7d: {  	_ =	shalt  }
0x7e: {  	_ =	shalt  }
0x7f: {  	_ =	shalt  }
0x80: {  	_ =	shalt  }
0x81: {  	_ =	shalt  }
0x82: {  	_ =	shalt  }
0x83: {  	_ =	shalt  }
0x84: {  	_ =	shalt  }
0x85: {  	_ =	shalt  }
0x86: {  	_ =	shalt  }
0x87: {  	_ =	shalt  }
.Lfunc_end0:
.L_simem_size_0:
called_computation_lowered:
.L_overlay_start_0:
0x88: {  	s2 =	sld [smem:$0x3FD9]  }
0x89: {  	s3 =	sld [smem:$0x3FFE];
	_ =	sdelay $0x1  }
0x8a: {  	s1 =	srdreg.scid  }
0x8b: {  	s0 =	sand.u32 $0x1, s1  }
0x8c: {  	s17 =	sshll.u32 s0, $0xA;
	s2 =	sadd.s32 s3, s2  }
0x8d: {  	s2 =	sadd.s32 s2, s17  }
0x8e: {  	[smem:$0x3FC1] =	sst s2  }
0x8f: {  	_ = 	snop  }
0x90: {  	s2 =	sld [smem:$0x3FD0];
	(tm) =	ssettm $0x1  }
0x91: {  	s18 =	sld [smem:$0x3FFB];
	_ =	sdelay $0x3  }
0x92: {  	_ =	strace s18  }
0x93: {  	s3 =	sld [smem:$0x3FFC];
	_ =	sdelay $0x3  }
0x94: {  	_ =	strace s3  }
0x95: {  	s3 =	sld [smem:$0x3FFD];
	_ =	sdelay $0x3  }
0x96: {  	_ =	strace s3  }
0x97: {  	_ =	strace $0x8FFFFFFF  }
0x98: {  	s19 =	sld [smem:$0x3FDB];
	_ =	sdelay $0x1  }
0x99: {  	s4 =	simm.s32 $_scs_section_size  }
0x9a: {  	s5 =	simm.s32 $_size__tile_overlayer_lowered;
	s6 =	simm.s32 $_tile_overlayer_lowered  }
0x9b: {  	s22 =	simm.s32 $0x1BFF;
	s21 =	sshll.u32 s6, $0x1;
	s3 =	sadd.s32 s4, s19  }
0x9c: {  	s7 =	simm.s32 $0x0;
	s20 =	sshll.u32 s5, $0x1;
	s5 =	sadd.s32 s21, s3  }
0x9d: {  	[timem:s7], [sflag:s22] =	dma.local [hbm:s5], s20  }
0x9e: {  	_ =	swait.ge [sflag:s22], s20  }
0x9f: {  	s4 =	ssub.s32 $0x0, s20;
	[sflag:s22] =	ssyncset.done $0x0  }
0xa0: {  	[sflag:s22] =	ssyncadd.s32 s4;
	_ =	sdelay $0x1  }
0xa1: {  	s23 =	simm.s32 $0x1B8B  }
0xa2: {  	_ =	swait.ge [sflag:s23], $0x1  }
0xa3: {  	[sflag:s23] =	ssyncset.done $0x0  }
0xa4: {  	s25 =	simm.s32 $0x1B8E;
	s24 =	sld [smem:$0x3FFE];
	[sflag:s23] =	ssyncadd.s32 $0xFFFFFFFF  }
0xa5: {  	s26 =	simm.s32 $execute0_lowered;
	[smem:$0x3FD2] =	sst s25  }
0xa6: {  	s5 =	sshll.u32 s26, $0x1;
	_ =	strace $0x80000046;
	[dreg:$0x1] =	wrdreg $0xFFFFFFFF  }
0xa7: {  	s28 =	simm.s32 $_size_execute0_lowered;
	s3 =	sadd.s32 s3, s5;
	[dreg:$0x0] =	wrdreg $0x0  }
0xa8: {  	s5 =	sshll.u32 s28, $0x1;
	[dreg:$0x2] =	wrdreg s3  }
0xa9: {  	[dreg:$0x3] =	wrdreg s5  }
0xaa: {  	[dreg:$0x4] =	wrdreg $0xC0  }
0xab: {  	_ =	task [dreg:s7], $0x5FFFF  }
0xac: {  	[dreg:$0x1] =	wrdreg $0xFFFFFFFF  }
0xad: {  	[dreg:$0x0] =	wrdreg $0x60  }
0xae: {  	[dreg:$0x2] =	wrdreg s24  }
0xaf: {  	[dreg:$0x3] =	wrdreg s2  }
0xb0: {  	[dreg:$0x4] =	wrdreg $0x9  }
0xb1: {  	_ =	task.clear_ibuf [dreg:s7], $0x5FFFF;
	_ =	strace $0x90000046  }
0xb2: {  	s29 =	simm.s32 $0x9;
	_ =	strace $0x80000048  }
0xb3: {  	_ =	swait.ge [sflag:s29], $0x1  }
0xb4: {  	[sflag:s29] =	ssyncadd.s32 $0xFFFFFFFF  }
0xb5: {  	_ =	strace $0x90000048  }
0xb6: {  	_ =	sfence  }
0xb7: {  	s30 =	sld [smem:$0x0];
	_ =	sdelay $0x2  }
0xb8: {  	s31 =	sshll.u32 s1, $0xD;
	s1 =	sshrl.u32 s1, $0x2  }
0xb9: {  	s3 =	sand.u32 $0x4000, s31;
	s1 =	sadd.s32 s1, s30  }
0xba: {  	s0 =	sor.u32 s3, s0;
	s1 =	sshll.u32 s1, $0x11  }
0xbb: {  	s0 =	sor.u32 s1, s0  }
0xbc: {  	s0 =	sadd.s32 $0x8F2B, s0  }
0xbd: {  	[sflag:s0] =	ssyncadd.remote.s32 $0x1  }
0xbe: {  	_ =	sfence.sel $0xFFFF  }
0xbf: {  	[dreg:$0x0] =	wrdreg $0xFFFFFFFF;
	(pc) =	sbr.abs _section_cstart, $3  }
0xc0: {  	[dreg:$0x1] =	wrdreg $0xFFFFFFFF  }
0xc1: {  	_ =	task.clear_ibuf [dreg:s7], $0x2FFFF;
	_ =	strace $0x9FFFFFFF  }
0xc2: {  	(tm) =	ssettm $0x7FFFFFFF  }
0xc3: {  	_ =	shalt  }
tec
execute0_lowered:
.L_overlay_start_1:
0x0: {  	(tag) =	ssettag $0x1  }
0x1: {  	s0 =	rddreg [dreg:$0x0]  }
0x2: {  	s2 =	rddreg [dreg:$0x1];
	s3 =	simm.s32 $0x0;
	s1 =	srdreg.scid  }
0x3: {  	s4 =	stileid.u32;
	s19 =	simm.s32 $0x2000;
	s20 =	simm.s32 $0x80  }
0x4: {  	s23 =	simm.s32 $0x40;
	s28 =	simm.s32 $0xA300;
	s31 =	simm.s32 $0x1  }
0x5: {  	s21 =	simm.s32 $0x2;
	s14 =	simm.s32 $0x5;
	s15 =	simm.s32 $0x0  }
0x6: {  	[smem:$0x7FF] =	sst s3;
	s1 =	sand.u32 $0x1, s1;
	s4 =	sshll.u32 s4, $0x1  }
0x7: {  	s9 =	sadd.s32 $0xC00, s0;
	s11 =	sadd.s32 $0x4800, s0;
	s12 =	sor.u32 s1, s4  }
0x8: {  	s5 =	sadd.s32 $0x8400, s0;
	s1 =	ssub.s32 $0x2, s1;
	s4 =	smul.u32 $0x1E0, s12  }
0x9: {  	_ =	strace $0x80000047;
	s24 =	sshrl.u32 s1, $0x1;
	s12 =	smul.u32 $0x5A00, s12  }
0xa: {  	s0 =	ssub.s32 s1, s24;
	s24 =	simm.s32 $0x3;
	s6 =	sshrl.u32 s4, $0x9  }
0xb: {  	s25 =	sadd.s32 $0x1C0, s4;
	s7 =	sand.u32 $0x1E0, s4;
	s10 =	sand.u32 $0x3E00, s4  }
0xc: {  	s26 =	sor.u32 $0xC, s4;
	s17 =	smov.u32 s4;
	s29 =	sor.u32 $0x10, s4  }
.Ltmp0:
0xd: {  	s0 =	smax.u32 s0, $0x1;
	[dreg:$0x3] =	wrdreg s26;
	(pc) =	sbr.rel .LBB2_1-.Ltmp0, $4  }
0xe: {  	s30 =	sor.u32 $0xC0, s12;
	s4 =	simm.s32 $0x7;
	[dreg:$0x4] =	wrdreg s29  }
0xf: {  	v1 =	vlaneseq.u32;
	s1 =	sand.u32 $0x7E00, s25;
	s8 =	sadd.s32 s9, s10;
	[dreg:$0x5] =	wrdreg s0  }
0x10: {  	v2 =	vshrl.u32 v1, $0x3;
	s10 =	sadd.s32 s11, s10;
	s13 =	sor.u32 $0x4, s7;
	[dreg:$0x6] =	wrdreg s30  }
0x11: {  	v1 =	vand.u32 $0x7, v1;
	v2 =	vmul.u32 $0xF0, v2;
	v0 =	vmov s6;
	s9 =	sadd.s32 s9, s1;
	s11 =	sadd.s32 s11, s1;
	s1 =	simm.s32 $0x10300  }
.LBB2_24:
0x12: {  	s0 =	simm.s32 $0x4  }
0x13: {  	_ =	swait.ge [sflag:s0], $0x6000  }
0x14: {  	[sflag:s0] =	ssyncset.done $0x0  }
0x15: {  	[sflag:s0] =	ssyncadd.s32 $0xFFFFA000  }
0x16: {  	_ =	swait.ge [sflag:s14], $0x6000  }
0x17: {  	[sflag:s14] =	ssyncset.done $0x0  }
0x18: {  	s4 =	simm.s32 $0x6;
	[sflag:s14] =	ssyncadd.s32 $0xFFFFA000  }
0x19: {  	_ =	swait.ge [sflag:s4], $0x6000  }
0x1a: {  	s15 =	rddreg [dreg:$0x7]  }
0x1b: {  	s30 =	rddreg [dreg:$0x5];
	s15 =	sadd.s32 $0x1, s15  }
0x1c: {  	p0 =	sne.s32 s15, s30  }
.Ltmp1:
0x1d: {  	_ = 	snop;
	(pc) =	sbr.rel @!p0 .LBB2_25-.Ltmp1, $3  }
0x1e: {  	_ =	sdelay $0x1  }
0x1f: {  	[sflag:s4] =	ssyncset.done $0x0  }
0x20: {  	[sflag:s4] =	ssyncadd.s32 $0xFFFFA000;
	s4 =	simm.s32 $0x7  }
.LBB2_1:
0x21: {  	[dreg:$0x7] =	wrdreg s15;
	s0 =	simm.s32 $0x10  }
0x22: {  	s22 =	sadd.s32 $0x0, s8;
	s16 =	simm.s32 $0x100;
	s18 =	simm.s32 $0x0  }
.LBB2_2:
0x23: {  	[tilespmem:s18], [sflag:$0x7] =	stream.linear.gather [hbm4b:s22+s3], $0x80, $0x38;
	[tilespmem:$0x16300] =	vst v63  }
0x24: {  	s15 =	smov.u32 s0;
	s18 =	smov.u32 s16;
	p0 =	sne.s32 s0, $0x1F0  }
.Ltmp2:
0x25: {  	s0 =	sadd.s32 $0x10, s0;
	(pc) =	sbr.rel @p0 .LBB2_2-.Ltmp2, $2  }
0x26: {  	_ =	sdelay $0x2  }
0x27: {  	s16 =	sadd.s32 $0x100, s16;
	s22 =	sadd.s32 s15, s8  }
0x28: {  	[tilespmem:s18], [sflag:$0x7] =	stream.linear.gather [hbm4b:s22+s3], $0x80, $0x38;
	[tilespmem:$0x16300] =	vst v63  }
0x29: {  	_ =	swait.ge [sflag:s4], $0x1000  }
0x2a: {  	s0 =	simm.s32 $0x80;
	s16 =	simm.s32 $0x10;
	[sflag:s4] =	ssyncset.done $0x0  }
0x2b: {  	s15 =	sadd.s32 $0x0, s9;
	s18 =	simm.s32 $0x180;
	[sflag:s4] =	ssyncadd.s32 $0xFFFFF000  }
.LBB2_4:
0x2c: {  	[tilespmem:s0], [sflag:$0x7] =	stream.linear.gather [hbm4b:s15+s3], $0x80, $0x38;
	[tilespmem:$0x16300] =	vst v63  }
0x2d: {  	s15 =	smov.u32 s16;
	s0 =	smov.u32 s18;
	p0 =	sne.s32 s16, $0x1F0  }
.Ltmp3:
0x2e: {  	s16 =	sadd.s32 $0x10, s16;
	(pc) =	sbr.rel @p0 .LBB2_4-.Ltmp3, $2  }
0x2f: {  	_ =	sdelay $0x2  }
0x30: {  	s18 =	sadd.s32 $0x100, s18;
	s15 =	sadd.s32 s15, s9  }
0x31: {  	[tilespmem:s0], [sflag:$0x7] =	stream.linear.gather [hbm4b:s15+s3], $0x80, $0x38;
	[tilespmem:$0x16300] =	vst v63  }
0x32: {  	_ =	swait.ge [sflag:s4], $0x1000  }
0x33: {  	s0 =	simm.s32 $0x2000;
	s16 =	simm.s32 $0x10;
	[sflag:s4] =	ssyncset.done $0x0  }
0x34: {  	s15 =	sadd.s32 $0x0, s10;
	s18 =	simm.s32 $0x2100;
	[sflag:s4] =	ssyncadd.s32 $0xFFFFF000  }
.LBB2_6:
0x35: {  	[tilespmem:s0], [sflag:$0x7] =	stream.linear.gather [hbm4b:s15+s3], $0x80, $0x38;
	[tilespmem:$0x16300] =	vst v63  }
0x36: {  	s15 =	smov.u32 s16;
	s0 =	smov.u32 s18;
	p0 =	sne.s32 s16, $0x1F0  }
.Ltmp4:
0x37: {  	s16 =	sadd.s32 $0x10, s16;
	(pc) =	sbr.rel @p0 .LBB2_6-.Ltmp4, $2  }
0x38: {  	_ =	sdelay $0x2  }
0x39: {  	s18 =	sadd.s32 $0x100, s18;
	s15 =	sadd.s32 s15, s10  }
0x3a: {  	[tilespmem:s0], [sflag:$0x7] =	stream.linear.gather [hbm4b:s15+s3], $0x80, $0x38;
	[tilespmem:$0x16300] =	vst v63  }
0x3b: {  	_ =	swait.ge [sflag:s4], $0x1000  }
0x3c: {  	s0 =	simm.s32 $0x2080;
	s18 =	simm.s32 $0x10;
	[sflag:s4] =	ssyncset.done $0x0  }
0x3d: {  	s16 =	sadd.s32 $0x0, s11;
	s22 =	simm.s32 $0x2180;
	[sflag:s4] =	ssyncadd.s32 $0xFFFFF000  }
.LBB2_8:
0x3e: {  	[tilespmem:s0], [sflag:$0x7] =	stream.linear.gather [hbm4b:s16+s3], $0x80, $0x38;
	[tilespmem:$0x16300] =	vst v63  }
0x3f: {  	s15 =	smov.u32 s18;
	s0 =	smov.u32 s22;
	p0 =	sne.s32 s18, $0x1F0  }
.Ltmp5:
0x40: {  	s18 =	sadd.s32 $0x10, s18;
	(pc) =	sbr.rel @p0 .LBB2_8-.Ltmp5, $2  }
0x41: {  	_ =	sdelay $0x2  }
0x42: {  	s22 =	sadd.s32 $0x100, s22;
	s16 =	sadd.s32 s15, s11  }
0x43: {  	s15 =	simm.s32 $0x0  }
0x44: {  	s15 =	smul.u32 $0xAB, s15;
	_ =	sdelay $0x1  }
0x45: {  	s18 =	sshrl.u32 s15, $0x9  }
0x46: {  	s18 =	sand.u32 $0x7F, s18  }
0x47: {  	s18 =	sadd.s32 s18, s7  }
0x48: {  	s18 =	sshll.u32 s18, $0x3  }
0x49: {  	v3 =	vmov s18  }
0x4a: {  	v4 =	vor.u32 s18, v1;
	v3 =	vshll.u32 v3, $0x1  }
0x4b: {  	v4 =	vand.u32 $0x7F, v4;
	v3 =	vand.u32 $0x1F00, v3  }
0x4c: {  	[tilespmem:s0], [sflag:$0x7] =	stream.linear.gather [hbm4b:s16+s3], $0x80, $0x38;
	v3 =	vor.u32 v4, v3;
	[tilespmem:$0x16300] =	vst v63  }
0x4d: {  	s22 =	sshrl.u32 s15, $0xD  }
0x4e: {  	_ =	swait.ge [sflag:s4], $0x1000;
	s0 =	sand.u32 $0x7, s22  }
0x4f: {  	[sflag:s4] =	ssyncset.done $0x0;
	s0 =	smul.u32 $0x30, s0  }
0x50: {  	[sflag:s4] =	ssyncadd.s32 $0xFFFFF000  }
0x51: {  	s25 =	simm.s32 $0x1;
	s0 =	ssub.s32 $0x0, s0;
	v4 =	vld.idx.msk [tilespmem:v3+s3+$0x0], $0xffff  }
0x52: {  	s15 =	smul.u32 $0xAB, s25;
	s0 =	sand.u32 $0xF8, s0;
	v3 =	vld.idx.msk [tilespmem:v3+s19+$0x0], $0xffff  }
0x53: {  	s0 =	sshrl.u32 s0, $0x3  }
0x54: {  	s26 =	sshrl.u32 s15, $0x9;
	v5 =	vmov s0  }
0x55: {  	s0 =	sand.u32 $0x7F, s26;
	v5 =	vmul.u32 $0xF0, v5  }
0x56: {  	s0 =	sadd.s32 s0, s7;
	v4 =	vshll.u32 v4, $0x1  }
0x57: {  	s0 =	sshll.u32 s0, $0x3;
	v3 =	vadd.s32 v3, v4;
	v4 =	vadd.s32 v0, v5  }
0x58: {  	v5 =	vmov s0;
	v3 =	vmul.u32 $0x1E, v3;
	v4 =	vbroadcast v4, $0x0  }
0x59: {  	v6 =	vor.u32 s0, v1;
	v5 =	vshll.u32 v5, $0x1  }
0x5a: {  	s16 =	simm.s32 $0x10;
	v5 =	vand.u32 $0x1F00, v5;
	v3 =	vadd.s32 v3, v4;
	v4 =	vand.u32 $0x7F, v6  }
0x5b: {  	s29 =	smul.u32 $0xAB, s16;
	v63 =	vadd.s32 v2, v3;
	v3 =	vor.u32 v4, v5;
	_ =	sdelay $0x1  }
0x5c: {  	s30 =	simm.s32 $0x2;
	s15 =	sshrl.u32 s29, $0xD  }
0x5d: {  	s22 =	smul.u32 $0xAB, s30;
	s15 =	sand.u32 $0x7, s15;
	s0 =	simm.s32 $0x4000  }
0x5e: {  	s18 =	simm.s32 $0x3;
	s25 =	smul.u32 $0x30, s15;
	[tilespmem:s0+$0x0] =	vst v63  }
.LBB2_10:
0x5f: {  	p0 =	sne.s32 s18, $0xB;
	v4 =	vld.idx.msk [tilespmem:v3+s3+$0x0], $0xffff  }
0x60: {  	s15 =	sshrl.u32 s22, $0x9;
	s22 =	ssub.s32 s16, s25;
	v3 =	vld.idx.msk [tilespmem:v3+s19+$0x0], $0xffff  }
0x61: {  	s15 =	sand.u32 $0x7F, s15;
	s22 =	sand.u32 $0xF8, s22  }
0x62: {  	s15 =	sadd.s32 s15, s7;
	s22 =	sshrl.u32 s22, $0x3  }
0x63: {  	s15 =	sshll.u32 s15, $0x3;
	v5 =	vmov s22  }
0x64: {  	v6 =	vmov s15;
	v7 =	vor.u32 s15, v1;
	v5 =	vmul.u32 $0xF0, v5  }
0x65: {  	s16 =	sadd.s32 $0x10, s16;
	v7 =	vand.u32 $0x7F, v7;
	v6 =	vshll.u32 v6, $0x1;
	v4 =	vshll.u32 v4, $0x1  }
0x66: {  	s15 =	smul.u32 $0xAB, s16;
	v6 =	vand.u32 $0x1F00, v6;
	v4 =	vadd.s32 v3, v4;
	v5 =	vadd.s32 v0, v5  }
.Ltmp6:
0x67: {  	v3 =	vor.u32 v7, v6;
	v4 =	vmul.u32 $0x1E, v4;
	v5 =	vbroadcast v5, $0x0;
	(pc) =	sbr.rel @p0 .LBB2_10-.Ltmp6, $4  }
0x68: {  	_ = 	snop  }
0x69: {  	s15 =	sshrl.u32 s15, $0xD;
	v4 =	vadd.s32 v4, v5  }
0x6a: {  	s0 =	sadd.s32 $0x10, s0;
	s22 =	smul.u32 $0xAB, s18;
	s15 =	sand.u32 $0x7, s15;
	v4 =	vadd.s32 v2, v4  }
0x6b: {  	s18 =	sadd.s32 $0x1, s18;
	s25 =	smul.u32 $0x30, s15;
	[tilespmem:s0+$0x0] =	vst v4  }
0x6c: {  	_ =	sdelay $0x3  }
0x6d: {  	v4 =	vld.idx.msk [tilespmem:v3+s3+$0x0], $0xffff;
	s15 =	sshrl.u32 s22, $0x9;
	s18 =	ssub.s32 s16, s25  }
0x6e: {  	v3 =	vld.idx.msk [tilespmem:v3+s19+$0x0], $0xffff;
	s15 =	sand.u32 $0x7F, s15;
	s18 =	sand.u32 $0xF8, s18  }
0x6f: {  	s15 =	sadd.s32 s15, s7;
	s18 =	sshrl.u32 s18, $0x3  }
0x70: {  	s15 =	sshll.u32 s15, $0x3;
	v5 =	vmov s18  }
0x71: {  	v6 =	vmov s15;
	v7 =	vor.u32 s15, v1;
	v5 =	vmul.u32 $0xF0, v5  }
0x72: {  	s25 =	sadd.s32 $0x10, s16;
	v7 =	vand.u32 $0x7F, v7;
	v6 =	vshll.u32 v6, $0x1;
	v4 =	vshll.u32 v4, $0x1  }
0x73: {  	s16 =	smul.u32 $0xAB, s25;
	v6 =	vand.u32 $0x1F00, v6;
	v3 =	vadd.s32 v3, v4;
	v4 =	vadd.s32 v0, v5  }
0x74: {  	v5 =	vor.u32 v7, v6;
	v3 =	vmul.u32 $0x1E, v3;
	v4 =	vbroadcast v4, $0x0  }
0x75: {  	s16 =	sshrl.u32 s16, $0xD  }
0x76: {  	s16 =	sand.u32 $0x7, s16;
	v3 =	vadd.s32 v3, v4  }
0x77: {  	s0 =	sadd.s32 $0x10, s0;
	s16 =	smul.u32 $0x30, s16;
	v3 =	vadd.s32 v2, v3  }
0x78: {  	[tilespmem:s0+$0x0] =	vst v3  }
0x79: {  	s15 =	ssub.s32 s25, s16;
	v3 =	vld.idx.msk [tilespmem:v5+s3+$0x0], $0xffff  }
0x7a: {  	s15 =	sand.u32 $0xF8, s15;
	v4 =	vld.idx.msk [tilespmem:v5+s19+$0x0], $0xffff  }
0x7b: {  	s26 =	simm.s32 $0x0;
	s15 =	sshrl.u32 s15, $0x3  }
0x7c: {  	s29 =	smul.u32 $0xAB, s26;
	v5 =	vmov s15  }
0x7d: {  	v5 =	vmul.u32 $0xF0, v5  }
0x7e: {  	s16 =	sshrl.u32 s29, $0x9;
	v3 =	vshll.u32 v3, $0x1  }
0x7f: {  	s16 =	sand.u32 $0x7F, s16;
	v3 =	vadd.s32 v4, v3;
	v4 =	vadd.s32 v0, v5  }
0x80: {  	s16 =	sadd.s32 s16, s13;
	v3 =	vmul.u32 $0x1E, v3;
	v4 =	vbroadcast v4, $0x0  }
0x81: {  	s16 =	sshll.u32 s16, $0x3  }
0x82: {  	v3 =	vadd.s32 v3, v4;
	v4 =	vmov s16  }
0x83: {  	s0 =	sadd.s32 $0x10, s0;
	v5 =	vor.u32 s16, v1;
	v3 =	vadd.s32 v2, v3;
	v4 =	vshll.u32 v4, $0x1  }
0x84: {  	[tilespmem:s0+$0x0] =	vst v3;
	v3 =	vand.u32 $0x7F, v5;
	v4 =	vand.u32 $0x7FFFFF00, v4  }
0x85: {  	s16 =	sshrl.u32 s29, $0xD;
	v3 =	vor.u32 v3, v4  }
0x86: {  	s30 =	simm.s32 $0x4000;
	s4 =	simm.s32 $0x4300;
	s0 =	sand.u32 $0x7, s16  }
0x87: {  	[tilespmem:s4], [sflag:$0x1] =	stream.indirect.gather [hbm4b:s5+s20], $0x80, s30, s20, $0xb8;
	[tilespmem:$0x16300] =	vst v63  }
0x88: {  	s22 =	simm.s32 $0x8300;
	s18 =	simm.s32 $0x4080;
	s0 =	smul.u32 $0x30, s0  }
0x89: {  	[tilespmem:s22], [sflag:$0x1] =	stream.indirect.gather [hbm4b:s5+s23], $0x80, s18, s23, $0xb8;
	[tilespmem:$0x16300] =	vst v63  }
0x8a: {  	s25 =	simm.s32 $0x1;
	s0 =	ssub.s32 $0x0, s0;
	v4 =	vld.idx.msk [tilespmem:v3+s3+$0x0], $0xffff  }
0x8b: {  	s15 =	smul.u32 $0xAB, s25;
	s0 =	sand.u32 $0xF8, s0;
	v3 =	vld.idx.msk [tilespmem:v3+s19+$0x0], $0xffff  }
0x8c: {  	s0 =	sshrl.u32 s0, $0x3  }
0x8d: {  	s26 =	sshrl.u32 s15, $0x9;
	v5 =	vmov s0  }
0x8e: {  	s0 =	sand.u32 $0x7F, s26;
	v5 =	vmul.u32 $0xF0, v5  }
0x8f: {  	s0 =	sadd.s32 s0, s13;
	v4 =	vshll.u32 v4, $0x1  }
0x90: {  	s0 =	sshll.u32 s0, $0x3;
	v3 =	vadd.s32 v3, v4;
	v4 =	vadd.s32 v0, v5  }
0x91: {  	v5 =	vmov s0;
	v3 =	vmul.u32 $0x1E, v3;
	v4 =	vbroadcast v4, $0x0  }
0x92: {  	v62 =	vor.u32 s0, v1;
	v5 =	vshll.u32 v5, $0x1  }
0x93: {  	s16 =	simm.s32 $0x10;
	v5 =	vand.u32 $0x7FFFFF00, v5;
	v3 =	vadd.s32 v3, v4;
	v4 =	vand.u32 $0x7F, v62  }
0x94: {  	s29 =	smul.u32 $0xAB, s16;
	v63 =	vadd.s32 v2, v3;
	v3 =	vor.u32 v4, v5;
	_ =	sdelay $0x1  }
0x95: {  	s30 =	simm.s32 $0x2;
	s15 =	sshrl.u32 s29, $0xD  }
0x96: {  	s22 =	smul.u32 $0xAB, s30;
	s15 =	sand.u32 $0x7, s15;
	s0 =	simm.s32 $0x4100  }
0x97: {  	s18 =	simm.s32 $0x3;
	s25 =	smul.u32 $0x30, s15;
	[tilespmem:s0+$0x0] =	vst v63  }
.LBB2_12:
0x98: {  	p0 =	sne.s32 s18, $0xB;
	v4 =	vld.idx.msk [tilespmem:v3+s3+$0x0], $0xffff  }
0x99: {  	s15 =	sshrl.u32 s22, $0x9;
	s22 =	ssub.s32 s16, s25;
	v3 =	vld.idx.msk [tilespmem:v3+s19+$0x0], $0xffff  }
0x9a: {  	s15 =	sand.u32 $0x7F, s15;
	s22 =	sand.u32 $0xF8, s22  }
0x9b: {  	s15 =	sadd.s32 s15, s13;
	s22 =	sshrl.u32 s22, $0x3  }
0x9c: {  	s15 =	sshll.u32 s15, $0x3;
	v5 =	vmov s22  }
0x9d: {  	v6 =	vmov s15;
	v7 =	vor.u32 s15, v1;
	v5 =	vmul.u32 $0xF0, v5  }
0x9e: {  	s16 =	sadd.s32 $0x10, s16;
	v7 =	vand.u32 $0x7F, v7;
	v6 =	vshll.u32 v6, $0x1;
	v4 =	vshll.u32 v4, $0x1  }
0x9f: {  	s15 =	smul.u32 $0xAB, s16;
	v6 =	vand.u32 $0x7FFFFF00, v6;
	v4 =	vadd.s32 v3, v4;
	v5 =	vadd.s32 v0, v5  }
.Ltmp7:
0xa0: {  	v3 =	vor.u32 v7, v6;
	v4 =	vmul.u32 $0x1E, v4;
	v5 =	vbroadcast v5, $0x0;
	(pc) =	sbr.rel @p0 .LBB2_12-.Ltmp7, $4  }
0xa1: {  	_ = 	snop  }
0xa2: {  	s15 =	sshrl.u32 s15, $0xD;
	v4 =	vadd.s32 v4, v5  }
0xa3: {  	s0 =	sadd.s32 $0x10, s0;
	s22 =	smul.u32 $0xAB, s18;
	s15 =	sand.u32 $0x7, s15;
	v4 =	vadd.s32 v2, v4  }
0xa4: {  	s18 =	sadd.s32 $0x1, s18;
	s25 =	smul.u32 $0x30, s15;
	[tilespmem:s0+$0x0] =	vst v4  }
0xa5: {  	_ =	sdelay $0x3  }
0xa6: {  	v4 =	vld.idx.msk [tilespmem:v3+s3+$0x0], $0xffff;
	s15 =	sshrl.u32 s22, $0x9;
	s18 =	ssub.s32 s16, s25  }
0xa7: {  	v3 =	vld.idx.msk [tilespmem:v3+s19+$0x0], $0xffff;
	s15 =	sand.u32 $0x7F, s15;
	s18 =	sand.u32 $0xF8, s18  }
0xa8: {  	s15 =	sadd.s32 s15, s13;
	s18 =	sshrl.u32 s18, $0x3  }
0xa9: {  	s15 =	sshll.u32 s15, $0x3;
	v5 =	vmov s18  }
0xaa: {  	v6 =	vmov s15;
	v7 =	vor.u32 s15, v1;
	v5 =	vmul.u32 $0xF0, v5  }
0xab: {  	s25 =	sadd.s32 $0x10, s16;
	v7 =	vand.u32 $0x7F, v7;
	v6 =	vshll.u32 v6, $0x1;
	v4 =	vshll.u32 v4, $0x1  }
0xac: {  	s16 =	smul.u32 $0xAB, s25;
	v6 =	vand.u32 $0x7FFFFF00, v6;
	v3 =	vadd.s32 v3, v4;
	v59 =	vadd.s32 v0, v5  }
0xad: {  	v60 =	vor.u32 v7, v6;
	v3 =	vmul.u32 $0x1E, v3;
	v4 =	vbroadcast v59, $0x0  }
0xae: {  	s16 =	sshrl.u32 s16, $0xD  }
0xaf: {  	s16 =	sand.u32 $0x7, s16;
	v3 =	vadd.s32 v3, v4  }
0xb0: {  	s0 =	sadd.s32 $0x10, s0;
	s16 =	smul.u32 $0x30, s16;
	v3 =	vadd.s32 v2, v3  }
0xb1: {  	[tilespmem:s0+$0x0] =	vst v3  }
0xb2: {  	s15 =	ssub.s32 s25, s16;
	v3 =	vld.idx.msk [tilespmem:v60+s3+$0x0], $0xffff  }
0xb3: {  	s15 =	sand.u32 $0xF8, s15;
	v61 =	vld.idx.msk [tilespmem:v60+s19+$0x0], $0xffff  }
0xb4: {  	s15 =	sshrl.u32 s15, $0x3  }
0xb5: {  	v62 =	vmov s15  }
0xb6: {  	v5 =	vmul.u32 $0xF0, v62  }
0xb7: {  	v3 =	vshll.u32 v3, $0x1  }
0xb8: {  	v63 =	vadd.s32 v0, v5;
	v3 =	vadd.s32 v61, v3  }
0xb9: {  	v4 =	vbroadcast v63, $0x0;
	v3 =	vmul.u32 $0x1E, v3;
	_ =	sdelay $0x1  }
0xba: {  	v3 =	vadd.s32 v3, v4  }
0xbb: {  	s0 =	sadd.s32 $0x10, s0;
	v3 =	vadd.s32 v2, v3  }
0xbc: {  	s26 =	simm.s32 $0x4100;
	[tilespmem:s0+$0x0] =	vst v3  }
0xbd: {  	[tilespmem:s28], [sflag:$0x2] =	stream.indirect.gather [hbm4b:s5+s20], $0x80, s26, s20, $0xb8;
	[tilespmem:$0x16300] =	vst v63  }
0xbe: {  	s30 =	simm.s32 $0x4180;
	s4 =	simm.s32 $0xE300;
	s29 =	simm.s32 $0x0  }
0xbf: {  	[tilespmem:s4], [sflag:$0x2] =	stream.indirect.gather [hbm4b:s5+s23], $0x80, s30, s23, $0xb8;
	[tilespmem:$0x16300] =	vst v63  }
.LBB2_14:
0xc0: {  	s0 =	smul.u32 $0x3, s29  }
0xc1: {  	s25 =	simm.s32 $0x0  }
0xc2: {  	s15 =	smul.u32 $0xAB, s25;
	s30 =	sadd.s32 $0x2, s0  }
0xc3: {  	s26 =	sshll.u32 s30, $0x2  }
0xc4: {  	s18 =	sshrl.u32 s15, $0x9;
	s0 =	sadd.s32 s17, s26  }
0xc5: {  	s18 =	sand.u32 $0x7F, s18;
	s22 =	sshrl.u32 s0, $0x9;
	s16 =	sand.u32 $0x1FC, s0  }
0xc6: {  	_ =	swait.ge [sflag:s31], $0x4000;
	s25 =	ssub.s32 s22, s6;
	s18 =	sadd.s32 s18, s16  }
0xc7: {  	[sflag:s31] =	ssyncset.done $0x0;
	s0 =	smul.u32 $0x240, s29;
	v3 =	vmov s25;
	s18 =	sshll.u32 s18, $0x3  }
0xc8: {  	[sflag:s31] =	ssyncadd.s32 $0xFFFFC000;
	v4 =	vshll.u32 v3, $0xC;
	v3 =	vshll.u32 v3, $0x7;
	v5 =	vmov s18  }
0xc9: {  	_ =	swait.ge [sflag:s31], $0x2000;
	s4 =	sadd.s32 s12, s0;
	v4 =	vand.u32 $0xFFFFE000, v4;
	v3 =	vand.u32 $0x80, v3;
	v5 =	vshll.u32 v5, $0x1  }
0xca: {  	p0 =	seq.s32 s29, $0x0;
	[sflag:s31] =	ssyncset.done $0x0;
	s25 =	sshll.u32 s4, $0x4;
	v3 =	vor.u32 v3, v4;
	v4 =	vor.u32 s18, v1;
	v5 =	vand.u32 $0x3F00, v5  }
0xcb: {  	[sflag:s31] =	ssyncadd.s32 $0xFFFFE000;
	s4 =	simm.s32 $0x4300;
	s25 =	sadd.s32 s2, s25;
	v4 =	vand.u32 $0x7F, v4;
	v5 =	vadd.s32 v3, v5  }
0xcc: {  	[hbm4b:s25+s3] =	stream.linear.scatter [tilespmem:s4], [sflag:$0x4], $0x6000, $0x38;
	v4 =	vor.u32 v4, v5;
	[tilespmem:$0x16300] =	vst v63  }
0xcd: {  	s18 =	simm.s32 @!p0 $0x6  }
0xce: {  	s15 =	sshrl.u32 s15, $0xD;
	_ =	swait.ge @!p0 [sflag:s18], $0x6000  }
0xcf: {  	s15 =	sand.u32 $0x7, s15;
	[sflag:s18] =	ssyncset.done @!p0 $0x0  }
0xd0: {  	s15 =	smul.u32 $0x30, s15;
	s25 =	simm.s32 $0x1;
	[sflag:s18] =	ssyncadd.s32 @!p0 $0xFFFFA000  }
0xd1: {  	s18 =	smul.u32 $0xAB, s25;
	v5 =	vld.idx.msk [tilespmem:v4+s3+$0x0], $0xffff  }
0xd2: {  	s15 =	ssub.s32 $0x0, s15;
	v6 =	vld.idx.msk [tilespmem:v4+s19+$0x0], $0xffff  }
0xd3: {  	s15 =	sand.u32 $0xF8, s15;
	s18 =	sshrl.u32 s18, $0x9  }
0xd4: {  	s15 =	sshrl.u32 s15, $0x3;
	s18 =	sand.u32 $0x7F, s18  }
0xd5: {  	v4 =	vmov s15;
	s26 =	sadd.s32 s18, s16  }
0xd6: {  	v7 =	vmul.u32 $0xF0, v4;
	s15 =	sshll.u32 s26, $0x3;
	v5 =	vshll.u32 v5, $0x1  }
0xd7: {  	v4 =	vmov s22;
	v8 =	vmov s15;
	v5 =	vadd.s32 v6, v5  }
0xd8: {  	v6 =	vadd.s32 v4, v7;
	v7 =	vshll.u32 v8, $0x1;
	v8 =	vor.u32 s15, v1  }
0xd9: {  	v5 =	vmul.u32 $0x1E, v5;
	v6 =	vbroadcast v6, $0x0;
	v7 =	vand.u32 $0x3F00, v7  }
0xda: {  	s22 =	simm.s32 $0x10;
	v8 =	vand.u32 $0x7F, v8;
	v7 =	vadd.s32 v3, v7  }
0xdb: {  	s4 =	smul.u32 $0xAB, s22;
	v6 =	vadd.s32 v5, v6;
	v5 =	vor.u32 v8, v7;
	_ =	sdelay $0x1  }
0xdc: {  	s25 =	simm.s32 $0x3;
	s26 =	simm.s32 $0x2;
	s4 =	sshrl.u32 s4, $0xD  }
0xdd: {  	s18 =	simm.s32 $0x4200;
	s26 =	smul.u32 $0xAB, s26;
	s15 =	sand.u32 $0x7, s4;
	v6 =	vadd.s32 v2, v6  }
.LBB2_15:
0xde: {  	p0 =	sne.s32 s25, $0xB;
	s4 =	smul.u32 $0x30, s15;
	[tilespmem:s18+$0x0] =	vst v6  }
0xdf: {  	s15 =	sshrl.u32 s26, $0x9;
	v6 =	vld.idx.msk [tilespmem:v5+s3+$0x0], $0xffff  }
0xe0: {  	s15 =	sand.u32 $0x7F, s15;
	s4 =	ssub.s32 s22, s4;
	v5 =	vld.idx.msk [tilespmem:v5+s19+$0x0], $0xffff  }
0xe1: {  	s15 =	sadd.s32 s15, s16;
	s4 =	sand.u32 $0xF8, s4  }
0xe2: {  	s15 =	sshll.u32 s15, $0x3;
	s4 =	sshrl.u32 s4, $0x3  }
0xe3: {  	v7 =	vmov s15;
	v8 =	vmov s4  }
0xe4: {  	v9 =	vor.u32 s15, v1;
	v7 =	vshll.u32 v7, $0x1;
	v8 =	vmul.u32 $0xF0, v8  }
0xe5: {  	v9 =	vand.u32 $0x7F, v9;
	v6 =	vshll.u32 v6, $0x1;
	v7 =	vand.u32 $0x3F00, v7  }
.Ltmp8:
0xe6: {  	s22 =	sadd.s32 $0x10, s22;
	v6 =	vadd.s32 v5, v6;
	v7 =	vadd.s32 v3, v7;
	v8 =	vadd.s32 v4, v8;
	(pc) =	sbr.rel @p0 .LBB2_15-.Ltmp8, $3  }
0xe7: {  	s4 =	smul.u32 $0xAB, s22;
	v6 =	vmul.u32 $0x1E, v6;
	v5 =	vor.u32 v9, v7;
	v7 =	vbroadcast v8, $0x0;
	_ =	sdelay $0x1  }
0xe8: {  	s18 =	sadd.s32 $0x10, s18;
	s4 =	sshrl.u32 s4, $0xD;
	v6 =	vadd.s32 v6, v7  }
0xe9: {  	s26 =	smul.u32 $0xAB, s25;
	s25 =	sadd.s32 $0x1, s25;
	s15 =	sand.u32 $0x7, s4;
	v6 =	vadd.s32 v2, v6  }
0xea: {  	_ =	sdelay $0x1  }
0xeb: {  	s4 =	smul.u32 $0x30, s15  }
0xec: {  	[tilespmem:s18+$0x0] =	vst v6;
	s26 =	sshrl.u32 s26, $0x9  }
0xed: {  	v6 =	vld.idx.msk [tilespmem:v5+s3+$0x0], $0xffff;
	s15 =	sand.u32 $0x7F, s26;
	s4 =	ssub.s32 s22, s4  }
0xee: {  	v60 =	vld.idx.msk [tilespmem:v5+s19+$0x0], $0xffff;
	s15 =	sadd.s32 s15, s16;
	s4 =	sand.u32 $0xF8, s4  }
0xef: {  	s15 =	sshll.u32 s15, $0x3;
	s4 =	sshrl.u32 s4, $0x3  }
0xf0: {  	v7 =	vmov s15;
	v8 =	vmov s4  }
0xf1: {  	v9 =	vor.u32 s15, v1;
	v7 =	vshll.u32 v7, $0x1;
	v8 =	vmul.u32 $0xF0, v8  }
0xf2: {  	s22 =	sadd.s32 $0x10, s22;
	v9 =	vand.u32 $0x7F, v9;
	v6 =	vshll.u32 v6, $0x1;
	v7 =	vand.u32 $0x3F00, v7  }
0xf3: {  	s25 =	smul.u32 $0xAB, s22;
	v5 =	vadd.s32 v60, v6;
	v3 =	vadd.s32 v3, v7;
	v61 =	vadd.s32 v4, v8  }
0xf4: {  	v5 =	vmul.u32 $0x1E, v5;
	v3 =	vor.u32 v9, v3;
	v6 =	vbroadcast v61, $0x0  }
0xf5: {  	s15 =	sshrl.u32 s25, $0xD  }
0xf6: {  	s15 =	sand.u32 $0x7, s15;
	v5 =	vadd.s32 v5, v6  }
0xf7: {  	s26 =	sadd.s32 $0x10, s18;
	s15 =	smul.u32 $0x30, s15;
	v5 =	vadd.s32 v2, v5  }
0xf8: {  	[tilespmem:s26+$0x0] =	vst v5  }
0xf9: {  	s4 =	ssub.s32 s22, s15;
	v5 =	vld.idx.msk [tilespmem:v3+s3+$0x0], $0xffff  }
0xfa: {  	s4 =	sand.u32 $0xF8, s4;
	v3 =	vld.idx.msk [tilespmem:v3+s19+$0x0], $0xffff  }
0xfb: {  	s4 =	sshrl.u32 s4, $0x3  }
0xfc: {  	v62 =	vmov s4  }
0xfd: {  	v6 =	vmul.u32 $0xF0, v62  }
0xfe: {  	v5 =	vshll.u32 v5, $0x1  }
0xff: {  	v63 =	vadd.s32 v4, v6;
	v3 =	vadd.s32 v3, v5  }
0x100: {  	v4 =	vbroadcast v63, $0x0;
	v3 =	vmul.u32 $0x1E, v3;
	_ =	sdelay $0x1  }
0x101: {  	v3 =	vadd.s32 v3, v4  }
0x102: {  	s16 =	sadd.s32 $0x10, s26;
	v3 =	vadd.s32 v2, v3  }
0x103: {  	s18 =	simm.s32 $0x4200;
	[tilespmem:s16+$0x0] =	vst v3  }
0x104: {  	[tilespmem:s1], [sflag:$0x3] =	stream.indirect.gather [hbm4b:s5+s20], $0x80, s18, s20, $0xb8;
	[tilespmem:$0x16300] =	vst v63  }
0x105: {  	s25 =	simm.s32 $0x14300;
	s22 =	simm.s32 $0x4280  }
0x106: {  	[tilespmem:s25], [sflag:$0x3] =	stream.indirect.gather [hbm4b:s5+s23], $0x80, s22, s23, $0xb8;
	[tilespmem:$0x16300] =	vst v63  }
0x107: {  	_ =	swait.ge [sflag:s21], $0x4000  }
0x108: {  	[sflag:s21] =	ssyncset.done $0x0  }
0x109: {  	[sflag:s21] =	ssyncadd.s32 $0xFFFFC000  }
0x10a: {  	p0 =	seq.s32 s29, $0x27;
	_ =	swait.ge [sflag:s21], $0x2000  }
.Ltmp9:
0x10b: {  	s26 =	rddreg [dreg:$0x6];
	(pc) =	sbr.rel @p0 .LBB2_20-.Ltmp9, $4  }
0x10c: {  	s0 =	sadd.s32 s26, s0  }
0x10d: {  	[sflag:s21] =	ssyncset.done $0x0;
	s0 =	sshll.u32 s0, $0x4  }
0x10e: {  	[sflag:s21] =	ssyncadd.s32 $0xFFFFE000;
	s0 =	sadd.s32 s2, s0  }
0x10f: {  	[hbm4b:s0+s3] =	stream.linear.scatter [tilespmem:s28], [sflag:$0x5], $0x6000, $0x38;
	[tilespmem:$0x16300] =	vst v63  }
0x110: {  	s0 =	smul.u32 $0xC, s29;
	s4 =	simm.s32 $0x0  }
0x111: {  	s4 =	smul.u32 $0xAB, s4  }
0x112: {  	s15 =	rddreg [dreg:$0x3]  }
0x113: {  	s0 =	sadd.s32 s0, s15;
	s25 =	sshrl.u32 s4, $0x9  }
0x114: {  	s16 =	sshrl.u32 s0, $0x9;
	s0 =	sand.u32 $0x1FC, s0;
	s15 =	sand.u32 $0x7F, s25  }
0x115: {  	s18 =	ssub.s32 s16, s6;
	s15 =	sadd.s32 s15, s0  }
0x116: {  	v3 =	vmov s18;
	s15 =	sshll.u32 s15, $0x3  }
0x117: {  	v4 =	vshll.u32 v3, $0xC;
	v3 =	vshll.u32 v3, $0x7;
	v5 =	vmov s15  }
0x118: {  	v4 =	vand.u32 $0xFFFFE000, v4;
	v3 =	vand.u32 $0x80, v3;
	v5 =	vshll.u32 v5, $0x1  }
0x119: {  	v3 =	vor.u32 v3, v4;
	v4 =	vor.u32 s15, v1;
	v5 =	vand.u32 $0x3F00, v5  }
0x11a: {  	v4 =	vand.u32 $0x7F, v4;
	v5 =	vadd.s32 v3, v5  }
0x11b: {  	v4 =	vor.u32 v4, v5  }
0x11c: {  	s26 =	simm.s32 $0x4  }
0x11d: {  	_ =	swait.ge [sflag:s26], $0x6000;
	s4 =	sshrl.u32 s4, $0xD  }
0x11e: {  	[sflag:s26] =	ssyncset.done $0x0;
	s4 =	sand.u32 $0x7, s4  }
0x11f: {  	[sflag:s26] =	ssyncadd.s32 $0xFFFFA000;
	s4 =	smul.u32 $0x30, s4;
	s18 =	simm.s32 $0x1  }
0x120: {  	s15 =	smul.u32 $0xAB, s18;
	v5 =	vld.idx.msk [tilespmem:v4+s3+$0x0], $0xffff  }
0x121: {  	s4 =	ssub.s32 $0x0, s4;
	v6 =	vld.idx.msk [tilespmem:v4+s19+$0x0], $0xffff  }
0x122: {  	s4 =	sand.u32 $0xF8, s4;
	s15 =	sshrl.u32 s15, $0x9  }
0x123: {  	s4 =	sshrl.u32 s4, $0x3;
	s15 =	sand.u32 $0x7F, s15  }
0x124: {  	s22 =	sadd.s32 s15, s0;
	v4 =	vmov s4  }
0x125: {  	s4 =	sshll.u32 s22, $0x3;
	v7 =	vmul.u32 $0xF0, v4;
	v5 =	vshll.u32 v5, $0x1  }
0x126: {  	v4 =	vmov s16;
	v8 =	vmov s4;
	v5 =	vadd.s32 v6, v5  }
0x127: {  	v6 =	vadd.s32 v4, v7;
	v7 =	vshll.u32 v8, $0x1;
	v8 =	vor.u32 s4, v1  }
0x128: {  	v5 =	vmul.u32 $0x1E, v5;
	v6 =	vbroadcast v6, $0x0;
	v7 =	vand.u32 $0x3F00, v7  }
0x129: {  	s18 =	simm.s32 $0x10;
	v8 =	vand.u32 $0x7F, v8;
	v7 =	vadd.s32 v3, v7  }
0x12a: {  	s25 =	smul.u32 $0xAB, s18;
	v6 =	vadd.s32 v5, v6;
	v5 =	vor.u32 v8, v7  }
0x12b: {  	s26 =	simm.s32 $0x2  }
0x12c: {  	s15 =	sshrl.u32 s25, $0xD;
	s25 =	smul.u32 $0xAB, s26  }
0x12d: {  	s15 =	sand.u32 $0x7, s15;
	s22 =	simm.s32 $0x3;
	s16 =	simm.s32 $0x4000;
	v6 =	vadd.s32 v2, v6  }
.LBB2_18:
0x12e: {  	p1 =	sne.s32 s22, $0xB;
	s4 =	smul.u32 $0x30, s15;
	[tilespmem:s16+$0x0] =	vst v6  }
0x12f: {  	s15 =	sshrl.u32 s25, $0x9;
	v6 =	vld.idx.msk [tilespmem:v5+s3+$0x0], $0xffff  }
0x130: {  	s15 =	sand.u32 $0x7F, s15;
	s4 =	ssub.s32 s18, s4;
	v5 =	vld.idx.msk [tilespmem:v5+s19+$0x0], $0xffff  }
0x131: {  	s15 =	sadd.s32 s15, s0;
	s4 =	sand.u32 $0xF8, s4  }
0x132: {  	s15 =	sshll.u32 s15, $0x3;
	s4 =	sshrl.u32 s4, $0x3  }
0x133: {  	v7 =	vmov s15;
	v8 =	vmov s4  }
0x134: {  	v9 =	vor.u32 s15, v1;
	v7 =	vshll.u32 v7, $0x1;
	v8 =	vmul.u32 $0xF0, v8  }
0x135: {  	v9 =	vand.u32 $0x7F, v9;
	v6 =	vshll.u32 v6, $0x1;
	v7 =	vand.u32 $0x3F00, v7  }
.Ltmp10:
0x136: {  	s18 =	sadd.s32 $0x10, s18;
	v6 =	vadd.s32 v5, v6;
	v7 =	vadd.s32 v3, v7;
	v8 =	vadd.s32 v4, v8;
	(pc) =	sbr.rel @p1 .LBB2_18-.Ltmp10, $3  }
0x137: {  	s4 =	smul.u32 $0xAB, s18;
	v6 =	vmul.u32 $0x1E, v6;
	v5 =	vor.u32 v9, v7;
	v7 =	vbroadcast v8, $0x0;
	_ =	sdelay $0x1  }
0x138: {  	s16 =	sadd.s32 $0x10, s16;
	s4 =	sshrl.u32 s4, $0xD;
	v6 =	vadd.s32 v6, v7  }
0x139: {  	s25 =	smul.u32 $0xAB, s22;
	s22 =	sadd.s32 $0x1, s22;
	s15 =	sand.u32 $0x7, s4;
	v6 =	vadd.s32 v2, v6  }
0x13a: {  	_ =	sdelay $0x1  }
0x13b: {  	s4 =	smul.u32 $0x30, s15  }
0x13c: {  	[tilespmem:s16+$0x0] =	vst v6;
	s26 =	sshrl.u32 s25, $0x9  }
0x13d: {  	v6 =	vld.idx.msk [tilespmem:v5+s3+$0x0], $0xffff;
	s15 =	sand.u32 $0x7F, s26;
	s4 =	ssub.s32 s18, s4  }
0x13e: {  	v60 =	vld.idx.msk [tilespmem:v5+s19+$0x0], $0xffff;
	s0 =	sadd.s32 s15, s0;
	s4 =	sand.u32 $0xF8, s4  }
0x13f: {  	s0 =	sshll.u32 s0, $0x3;
	s4 =	sshrl.u32 s4, $0x3  }
0x140: {  	v7 =	vmov s0;
	v8 =	vmov s4  }
0x141: {  	v9 =	vor.u32 s0, v1;
	v7 =	vshll.u32 v7, $0x1;
	v8 =	vmul.u32 $0xF0, v8  }
0x142: {  	s22 =	sadd.s32 $0x10, s18;
	v9 =	vand.u32 $0x7F, v9;
	v6 =	vshll.u32 v6, $0x1;
	v7 =	vand.u32 $0x3F00, v7  }
0x143: {  	s25 =	smul.u32 $0xAB, s22;
	v5 =	vadd.s32 v60, v6;
	v3 =	vadd.s32 v3, v7;
	v61 =	vadd.s32 v4, v8  }
0x144: {  	v5 =	vmul.u32 $0x1E, v5;
	v3 =	vor.u32 v9, v3;
	v6 =	vbroadcast v61, $0x0  }
0x145: {  	s4 =	sshrl.u32 s25, $0xD  }
0x146: {  	s4 =	sand.u32 $0x7, s4;
	v5 =	vadd.s32 v5, v6  }
0x147: {  	s26 =	sadd.s32 $0x10, s16;
	s4 =	smul.u32 $0x30, s4;
	v5 =	vadd.s32 v2, v5  }
0x148: {  	[tilespmem:s26+$0x0] =	vst v5  }
0x149: {  	s0 =	ssub.s32 s22, s4;
	v5 =	vld.idx.msk [tilespmem:v3+s3+$0x0], $0xffff  }
0x14a: {  	s0 =	sand.u32 $0xF8, s0;
	v3 =	vld.idx.msk [tilespmem:v3+s19+$0x0], $0xffff  }
0x14b: {  	s0 =	sshrl.u32 s0, $0x3  }
0x14c: {  	v62 =	vmov s0  }
0x14d: {  	v6 =	vmul.u32 $0xF0, v62  }
0x14e: {  	v5 =	vshll.u32 v5, $0x1  }
0x14f: {  	v63 =	vadd.s32 v4, v6;
	v3 =	vadd.s32 v3, v5  }
0x150: {  	v4 =	vbroadcast v63, $0x0;
	v3 =	vmul.u32 $0x1E, v3;
	_ =	sdelay $0x1  }
0x151: {  	v3 =	vadd.s32 v3, v4  }
0x152: {  	s16 =	sadd.s32 $0x10, s26;
	v3 =	vadd.s32 v2, v3  }
0x153: {  	s18 =	simm.s32 $0x4000;
	s22 =	simm.s32 $0x4300;
	[tilespmem:s16+$0x0] =	vst v3  }
0x154: {  	[tilespmem:s22], [sflag:$0x1] =	stream.indirect.gather [hbm4b:s5+s20], $0x80, s18, s20, $0xb8;
	[tilespmem:$0x16300] =	vst v63  }
0x155: {  	s25 =	simm.s32 $0x4080;
	s26 =	simm.s32 $0x8300  }
0x156: {  	[tilespmem:s26], [sflag:$0x1] =	stream.indirect.gather [hbm4b:s5+s23], $0x80, s25, s23, $0xb8;
	[tilespmem:$0x16300] =	vst v63  }
.LBB2_20:
0x157: {  	_ =	swait.ge [sflag:s24], $0x4000  }
0x158: {  	s0 =	smul.u32 $0xC0, s30;
	[sflag:s24] =	ssyncset.done $0x0  }
.Ltmp11:
0x159: {  	[sflag:s24] =	ssyncadd.s32 $0xFFFFC000;
	(pc) =	sbr.rel @p0 .LBB2_24-.Ltmp11, $4  }
0x15a: {  	s0 =	sadd.s32 s12, s0;
	_ =	swait.ge [sflag:s24], $0x2000  }
0x15b: {  	s0 =	sshll.u32 s0, $0x4;
	[sflag:s24] =	ssyncset.done $0x0  }
0x15c: {  	s0 =	sadd.s32 s2, s0;
	[sflag:s24] =	ssyncadd.s32 $0xFFFFE000  }
0x15d: {  	[hbm4b:s0+s3] =	stream.linear.scatter [tilespmem:s1], [sflag:$0x6], $0x6000, $0x38;
	[tilespmem:$0x16300] =	vst v63  }
0x15e: {  	s0 =	smul.u32 $0xC, s29;
	s4 =	simm.s32 $0x0  }
0x15f: {  	s4 =	smul.u32 $0xAB, s4  }
0x160: {  	s15 =	rddreg [dreg:$0x4]  }
0x161: {  	s0 =	sadd.s32 s0, s15;
	s18 =	sshrl.u32 s4, $0x9  }
0x162: {  	s16 =	sshrl.u32 s0, $0x9;
	s0 =	sand.u32 $0x1FC, s0;
	s15 =	sand.u32 $0x7F, s18  }
0x163: {  	s18 =	ssub.s32 s16, s6;
	s15 =	sadd.s32 s15, s0  }
0x164: {  	v3 =	vmov s18;
	s15 =	sshll.u32 s15, $0x3  }
0x165: {  	v4 =	vshll.u32 v3, $0xC;
	v3 =	vshll.u32 v3, $0x7;
	v5 =	vmov s15  }
0x166: {  	v4 =	vand.u32 $0xFFFFE000, v4;
	v3 =	vand.u32 $0x80, v3;
	v5 =	vshll.u32 v5, $0x1  }
0x167: {  	v3 =	vor.u32 v3, v4;
	v4 =	vor.u32 s15, v1;
	v5 =	vand.u32 $0x3F00, v5  }
0x168: {  	v4 =	vand.u32 $0x7F, v4;
	v5 =	vadd.s32 v3, v5  }
0x169: {  	v4 =	vor.u32 v4, v5;
	_ =	sdelay $0x1  }
0x16a: {  	_ =	swait.ge [sflag:s14], $0x6000;
	s4 =	sshrl.u32 s4, $0xD  }
0x16b: {  	[sflag:s14] =	ssyncset.done $0x0;
	s4 =	sand.u32 $0x7, s4  }
0x16c: {  	s22 =	simm.s32 $0x1;
	[sflag:s14] =	ssyncadd.s32 $0xFFFFA000;
	s4 =	smul.u32 $0x30, s4  }
0x16d: {  	s15 =	smul.u32 $0xAB, s22;
	v5 =	vld.idx.msk [tilespmem:v4+s3+$0x0], $0xffff  }
0x16e: {  	s4 =	ssub.s32 $0x0, s4;
	v6 =	vld.idx.msk [tilespmem:v4+s19+$0x0], $0xffff  }
0x16f: {  	s4 =	sand.u32 $0xF8, s4;
	s15 =	sshrl.u32 s15, $0x9  }
0x170: {  	s4 =	sshrl.u32 s4, $0x3;
	s15 =	sand.u32 $0x7F, s15  }
0x171: {  	s25 =	sadd.s32 s15, s0;
	v4 =	vmov s4  }
0x172: {  	s4 =	sshll.u32 s25, $0x3;
	v7 =	vmul.u32 $0xF0, v4;
	v5 =	vshll.u32 v5, $0x1  }
0x173: {  	v4 =	vmov s16;
	v8 =	vmov s4;
	v5 =	vadd.s32 v6, v5  }
0x174: {  	v6 =	vadd.s32 v4, v7;
	v7 =	vshll.u32 v8, $0x1;
	v8 =	vor.u32 s4, v1  }
0x175: {  	v5 =	vmul.u32 $0x1E, v5;
	v6 =	vbroadcast v6, $0x0;
	v7 =	vand.u32 $0x3F00, v7  }
0x176: {  	s18 =	simm.s32 $0x10;
	v8 =	vand.u32 $0x7F, v8;
	v7 =	vadd.s32 v3, v7  }
0x177: {  	s26 =	smul.u32 $0xAB, s18;
	v6 =	vadd.s32 v5, v6;
	v5 =	vor.u32 v8, v7;
	_ =	sdelay $0x1  }
0x178: {  	s30 =	simm.s32 $0x2;
	s22 =	simm.s32 $0x3;
	s15 =	sshrl.u32 s26, $0xD  }
0x179: {  	s15 =	sand.u32 $0x7, s15;
	s25 =	smul.u32 $0xAB, s30;
	s16 =	simm.s32 $0x4100;
	v6 =	vadd.s32 v2, v6  }
.LBB2_22:
0x17a: {  	p0 =	sne.s32 s22, $0xB;
	s4 =	smul.u32 $0x30, s15;
	[tilespmem:s16+$0x0] =	vst v6  }
0x17b: {  	s15 =	sshrl.u32 s25, $0x9;
	v6 =	vld.idx.msk [tilespmem:v5+s3+$0x0], $0xffff  }
0x17c: {  	s15 =	sand.u32 $0x7F, s15;
	s4 =	ssub.s32 s18, s4;
	v5 =	vld.idx.msk [tilespmem:v5+s19+$0x0], $0xffff  }
0x17d: {  	s15 =	sadd.s32 s15, s0;
	s4 =	sand.u32 $0xF8, s4  }
0x17e: {  	s15 =	sshll.u32 s15, $0x3;
	s4 =	sshrl.u32 s4, $0x3  }
0x17f: {  	v7 =	vmov s15;
	v8 =	vmov s4  }
0x180: {  	v9 =	vor.u32 s15, v1;
	v7 =	vshll.u32 v7, $0x1;
	v8 =	vmul.u32 $0xF0, v8  }
0x181: {  	v9 =	vand.u32 $0x7F, v9;
	v6 =	vshll.u32 v6, $0x1;
	v7 =	vand.u32 $0x3F00, v7  }
.Ltmp12:
0x182: {  	s18 =	sadd.s32 $0x10, s18;
	v6 =	vadd.s32 v5, v6;
	v7 =	vadd.s32 v3, v7;
	v8 =	vadd.s32 v4, v8;
	(pc) =	sbr.rel @p0 .LBB2_22-.Ltmp12, $3  }
0x183: {  	s4 =	smul.u32 $0xAB, s18;
	v6 =	vmul.u32 $0x1E, v6;
	v5 =	vor.u32 v9, v7;
	v7 =	vbroadcast v8, $0x0;
	_ =	sdelay $0x1  }
0x184: {  	s16 =	sadd.s32 $0x10, s16;
	s4 =	sshrl.u32 s4, $0xD;
	v6 =	vadd.s32 v6, v7  }
0x185: {  	s25 =	smul.u32 $0xAB, s22;
	s22 =	sadd.s32 $0x1, s22;
	s15 =	sand.u32 $0x7, s4;
	v6 =	vadd.s32 v2, v6  }
0x186: {  	_ =	sdelay $0x1  }
0x187: {  	s4 =	smul.u32 $0x30, s15  }
0x188: {  	[tilespmem:s16+$0x0] =	vst v6;
	s26 =	sshrl.u32 s25, $0x9  }
0x189: {  	v6 =	vld.idx.msk [tilespmem:v5+s3+$0x0], $0xffff;
	s15 =	sand.u32 $0x7F, s26;
	s4 =	ssub.s32 s18, s4  }
0x18a: {  	v60 =	vld.idx.msk [tilespmem:v5+s19+$0x0], $0xffff;
	s0 =	sadd.s32 s15, s0;
	s4 =	sand.u32 $0xF8, s4  }
0x18b: {  	s0 =	sshll.u32 s0, $0x3;
	s4 =	sshrl.u32 s4, $0x3  }
0x18c: {  	v7 =	vmov s0;
	v8 =	vmov s4  }
0x18d: {  	v9 =	vor.u32 s0, v1;
	v7 =	vshll.u32 v7, $0x1;
	v8 =	vmul.u32 $0xF0, v8  }
0x18e: {  	s30 =	sadd.s32 $0x10, s18;
	v9 =	vand.u32 $0x7F, v9;
	v6 =	vshll.u32 v6, $0x1;
	v7 =	vand.u32 $0x3F00, v7  }
0x18f: {  	s15 =	smul.u32 $0xAB, s30;
	v5 =	vadd.s32 v60, v6;
	v3 =	vadd.s32 v3, v7;
	v61 =	vadd.s32 v4, v8  }
0x190: {  	v5 =	vmul.u32 $0x1E, v5;
	v3 =	vor.u32 v9, v3;
	v6 =	vbroadcast v61, $0x0  }
0x191: {  	s4 =	sshrl.u32 s15, $0xD  }
0x192: {  	s4 =	sand.u32 $0x7, s4;
	v5 =	vadd.s32 v5, v6  }
0x193: {  	s18 =	sadd.s32 $0x10, s16;
	s4 =	smul.u32 $0x30, s4;
	v5 =	vadd.s32 v2, v5  }
0x194: {  	[tilespmem:s18+$0x0] =	vst v5  }
0x195: {  	s0 =	ssub.s32 s30, s4;
	v5 =	vld.idx.msk [tilespmem:v3+s3+$0x0], $0xffff  }
0x196: {  	s0 =	sand.u32 $0xF8, s0;
	v3 =	vld.idx.msk [tilespmem:v3+s19+$0x0], $0xffff  }
0x197: {  	s0 =	sshrl.u32 s0, $0x3  }
0x198: {  	v62 =	vmov s0  }
0x199: {  	v6 =	vmul.u32 $0xF0, v62  }
0x19a: {  	v5 =	vshll.u32 v5, $0x1  }
0x19b: {  	v63 =	vadd.s32 v4, v6;
	v3 =	vadd.s32 v3, v5  }
0x19c: {  	v4 =	vbroadcast v63, $0x0;
	v3 =	vmul.u32 $0x1E, v3;
	_ =	sdelay $0x1  }
0x19d: {  	v3 =	vadd.s32 v3, v4  }
.Ltmp13:
0x19e: {  	s22 =	sadd.s32 $0x10, s18;
	v3 =	vadd.s32 v2, v3;
	(pc) =	sbr.rel .LBB2_14-.Ltmp13, $4  }
0x19f: {  	s25 =	simm.s32 $0x4100;
	[tilespmem:s22+$0x0] =	vst v3  }
0x1a0: {  	[tilespmem:s28], [sflag:$0x2] =	stream.indirect.gather [hbm4b:s5+s20], $0x80, s25, s20, $0xb8;
	[tilespmem:$0x16300] =	vst v63  }
0x1a1: {  	s29 =	sadd.s32 $0x1, s29;
	s26 =	simm.s32 $0x4180;
	s30 =	simm.s32 $0xE300  }
0x1a2: {  	[tilespmem:s30], [sflag:$0x2] =	stream.indirect.gather [hbm4b:s5+s23], $0x80, s26, s23, $0xb8;
	[tilespmem:$0x16300] =	vst v63  }
.LBB2_25:
0x1a3: {  	_ =	sfence.sel $0x180000  }
0x1a4: {  	[bflag:$0x0] =	sbarrier.arrive $0xFFFF  }
0x1a5: {  	_ =	strace $0x90000047  }
0x1a6: {  	s0 =	stileid.u32;
	[bflag:$0x2] =	sbarrier.arrive $0xFFFF  }
0x1a7: {  	p0 =	sne.s32 s0, $0x0;
	s0 =	rddreg [dreg:$0x2]  }
0x1a8: {  	s0 =	sadd.s32 @!p0 $0x100000, s0  }
0x1a9: {  	[sflag:s0] =	ssyncadd.tile.s32 @!p0 $0x1;
	_ =	shalt  }
.Lfunc_end2:
_tile_overlayer_lowered:
.L_overlay_start_2:
0x1aa: {  	(tag) =	ssettag $0x2  }
0x1ab: {  	s0 =	rddreg [dreg:$0x0];
	s2 =	stileid.u32  }
0x1ac: {  	s1 =	rddreg [dreg:$0x1];
	p0 =	sne.s32 s2, $0x0  }
0x1ad: {  	s3 =	rddreg [dreg:$0x2];
	[bflag:$0x3] =	sbarrier.arrive $0xFFFF;
	s2 =	simm.s32 @!p0 $0x1C07  }
0x1ae: {  	[timem:s3], [sflag:s2] =	dma.local @!p0 [hbm:s0], s1  }
0x1af: {  	s0 =	simm.s32 @!p0 $0x7  }
0x1b0: {  	_ =	swait.ge @!p0 [sflag:s0], s1  }
0x1b1: {  	s1 =	ssub.s32 @!p0 $0x0, s1;
	[sflag:s0] =	ssyncset.done @!p0 $0x0  }
0x1b2: {  	[sflag:s0] =	ssyncadd.s32 @!p0 s1  }
0x1b3: {  	[bflag:$0x3] =	sbarrier.arrive $0xFFFF  }
0x1b4: {  	_ =	shalt  }

</sc_bundles>
